<compile_context>
chip_gen: v7x
topology: tpu7x:2x2x1
jax: 0.10.2.dev20260603
libtpu: 0.0.44.dev20260713+nightly
codegen_flags: <defaults>
</compile_context>

<pallas_src>
import functools
import jax
import jax.numpy as jnp
from jax import lax
from jax.experimental import pallas as pl
from jax.experimental.pallas import tpu as pltpu
from jax.experimental.pallas import tpu_sc as plsc

_D = 256

_TC_ROWS = 7168
_TC_BM = 1024



def _tc_body(cents_ref, x_ref, rf_ref, o_ref):
    x = x_ref[...]
    n2 = jnp.sum(x * x, axis=1, keepdims=True)
    norm = jnp.maximum(jnp.sqrt(n2), 1e-8)
    inv = 1.0 / norm

    lane = lax.broadcasted_iota(jnp.int32, (1, _D), 1)
    even = (lane % 2) == 0

    flat = rf_ref[...]
    fsw = jnp.where(even, jnp.roll(flat, -1, axis=1),
                    jnp.roll(flat, 1, axis=1))
    a = jnp.where(even, flat, fsw)
    b = jnp.where(even, -fsw, flat)

    xs = jnp.where(even, jnp.roll(x, -1, axis=1), jnp.roll(x, 1, axis=1))
    f = (a * x + b * xs) * inv

    def ctr(k):
        return cents_ref[k]

    def m(k):
        return 0.5 * (cents_ref[k] + cents_ref[k + 1])

    def sel(cond, hi, lo):
        return jnp.where(cond, hi, lo)

    b1 = f > m(7)
    t2 = sel(b1, m(11), m(3))
    b2 = f > t2
    t3 = sel(b1, sel(b2, m(13), m(9)), sel(b2, m(5), m(1)))
    b3 = f > t3
    t4 = sel(b1,
             sel(b2, sel(b3, m(14), m(12)), sel(b3, m(10), m(8))),
             sel(b2, sel(b3, m(6), m(4)), sel(b3, m(2), m(0))))
    b4 = f > t4
    q = sel(b1,
            sel(b2,
                sel(b3, sel(b4, ctr(15), ctr(14)), sel(b4, ctr(13), ctr(12))),
                sel(b3, sel(b4, ctr(11), ctr(10)), sel(b4, ctr(9), ctr(8)))),
            sel(b2,
                sel(b3, sel(b4, ctr(7), ctr(6)), sel(b4, ctr(5), ctr(4))),
                sel(b3, sel(b4, ctr(3), ctr(2)), sel(b4, ctr(1), ctr(0)))))

    qs = jnp.where(even, jnp.roll(q, -1, axis=1), jnp.roll(q, 1, axis=1))
    o_ref[...] = (a * q + b * qs) * norm


def _tc_quant(x, rf, cents, bm, n_rows):
    B = x.shape[0]
    grid = (n_rows // bm,)
    return pl.pallas_call(
        _tc_body,
        grid=grid,
        in_specs=[
            pl.BlockSpec(memory_space=pltpu.SMEM),
            pl.BlockSpec((bm, _D), lambda i: (i, 0)),
            pl.BlockSpec((1, _D), lambda i: (0, 0)),
        ],
        out_specs=pl.BlockSpec((bm, _D), lambda i: (i, 0)),
        out_shape=jax.ShapeDtypeStruct((B, _D), jnp.float32),
    )(cents, x, rf)



_CH = 32

_GDN = lax.GatherDimensionNumbers(
    offset_dims=(), collapsed_slice_dims=(0,), start_index_map=(0,))


def _take16(v, idx):
    return lax.gather(v, idx[:, None], _GDN, slice_sizes=(1,),
                      mode=lax.GatherScatterMode.PROMISE_IN_BOUNDS)


def _sc_quant(x2d, rf, cents, n_rows, row0):
    info = plsc.get_sparse_core_info()
    NC, NS = info.num_cores, info.num_subcores
    NW = NC * NS
    rows_w = n_rows // NW
    n_ch = rows_w // _CH
    mesh = plsc.VectorSubcoreMesh(core_axis_name="c", subcore_axis_name="s")

    @functools.partial(
        pl.kernel,
        mesh=mesh,
        out_type=jax.ShapeDtypeStruct((n_rows, _D), jnp.float32),
        scratch_types=[
            pltpu.VMEM((_CH, _D), jnp.float32),
            pltpu.VMEM((_CH, _D), jnp.float32),
            pltpu.VMEM((_D,), jnp.float32),
            pltpu.VMEM((16,), jnp.float32),
        ],
    )
    def k(x_hbm, rf_hbm, cents_hbm, o_hbm, xbuf, obuf, rbuf, tbuf):
        wid = lax.axis_index("s") * NC + lax.axis_index("c")
        base = wid * rows_w
        pltpu.sync_copy(rf_hbm, rbuf)
        pltpu.sync_copy(cents_hbm, tbuf)
        lane = lax.iota(jnp.int32, 16)
        swap = lane ^ 1
        emask = (lane & 1) == 0
        cents_v = tbuf[...]
        mids_v = 0.5 * (cents_v
                        + _take16(cents_v, jnp.minimum(lane + 1, 15)))
        m7 = _take16(mids_v, jnp.full((16,), 7, jnp.int32))

        def chunk_body(g, _carry):
            rstart = base + g * _CH
            pltpu.sync_copy(x_hbm.at[pl.ds(row0 + rstart, _CH)], xbuf)

            def row_body(r, _c2):
                def ssq_body(g4, accs):
                    vs = [xbuf[r, pl.ds(g4 * 64 + j * 16, 16)]
                          for j in range(4)]
                    return tuple(accs[j] + vs[j] * vs[j] for j in range(4))

                accs = lax.fori_loop(
                    0, 4, ssq_body,
                    tuple(jnp.zeros((16,), jnp.float32) for _ in range(4)))
                acc = (accs[0] + accs[1]) + (accs[2] + accs[3])
                for sh in (8, 4, 2, 1):
                    acc = acc + _take16(acc, lane ^ sh)
                sv = jnp.maximum(acc, 1e-30)
                i32 = lax.bitcast_convert_type(sv, jnp.int32)
                y = lax.bitcast_convert_type(
                    jnp.int32(0x5F3759DF) - (i32 >> 1), jnp.float32)
                for _ in range(3):
                    y = y * (1.5 - 0.5 * sv * y * y)
                norm = jnp.maximum(sv * y, 1e-8)
                inv = 1.0 / norm

                def group_body(g4, _c3):
                    cs = [g4 * 64 + j * 16 for j in range(4)]
                    vl = [xbuf[r, pl.ds(c, 16)] for c in cs]
                    rl = [rbuf[pl.ds(c, 16)] for c in cs]
                    rw = [_take16(rl[j], swap) for j in range(4)]
                    al = [jnp.where(emask, rl[j], rw[j]) for j in range(4)]
                    bl = [jnp.where(emask, -rw[j], rl[j]) for j in range(4)]
                    fl = [(al[j] * vl[j] + bl[j] * _take16(vl[j], swap)) * inv
                          for j in range(4)]
                    il = [jnp.where(fl[j] > m7, 8, 0) for j in range(4)]
                    for bit in (4, 2, 1):
                        tm = [_take16(mids_v, il[j] | (bit - 1))
                              for j in range(4)]
                        il = [il[j] | jnp.where(fl[j] > tm[j], bit, 0)
                              for j in range(4)]
                    ql = [_take16(cents_v, il[j]) for j in range(4)]
                    ol = [(al[j] * ql[j] + bl[j] * _take16(ql[j], swap)) * norm
                          for j in range(4)]
                    for j in range(4):
                        obuf[r, pl.ds(cs[j], 16)] = ol[j]
                    return 0

                lax.fori_loop(0, 4, group_body, 0)
                return 0

            lax.fori_loop(0, _CH, row_body, 0)
            pltpu.sync_copy(obuf, o_hbm.at[pl.ds(rstart, _CH)])
            return 0

        lax.fori_loop(0, n_ch, chunk_body, 0)

    return k(x2d, rf, cents)



@jax.jit
def kernel(x, rot2, centroids):
    rf2 = jnp.reshape(rot2, (1, _D))
    n_sc = x.shape[0] - _TC_ROWS
    if n_sc <= 0:
        return _tc_quant(x, rf2, centroids, _TC_BM, x.shape[0])
    if _TC_ROWS == 0:
        return _sc_quant(x, jnp.reshape(rf2, (_D,)), centroids, n_sc, 0)

    tc_out = _tc_quant(x, rf2, centroids, _TC_BM, _TC_ROWS)
    sc_out = _sc_quant(x, jnp.reshape(rf2, (_D,)), centroids, n_sc, _TC_ROWS)
    return lax.dynamic_update_slice(tc_out, sc_out, (_TC_ROWS, 0))

# --- scband reference (transcript-rebuilt; emitter-appended) ---
"""Pipeline reference for scband-planar-quant-mse-38190849196136 (READ-ONLY COPY).

The authoritative reference and input builder live on the scoring server;
editing this copy changes nothing except your own understanding.
"""

import jax, jax.numpy as jnp
import numpy as np

D = 256
BITS = 4
N_LEVELS = 2 ** BITS
N_GROUPS = (D + 1) // 2
D_PADDED = N_GROUPS * 2
B = 9216


def setup_inputs(seed: int = 0) -> dict:
    key = jax.random.key(seed)
    k1, k2 = jax.random.split(key)
    x = jax.random.normal(k1, (B, D), dtype=jnp.float32)
    # make_random_rotations: uniform angles in [0, 2*pi), stacked (cos, sin)
    angles = jax.random.uniform(k2, (N_GROUPS,), dtype=jnp.float32) * (2.0 * np.pi)
    rot2 = jnp.stack([jnp.cos(angles), jnp.sin(angles)], axis=-1)  # [N_GROUPS, 2]
    # Lloyd-Max style codebook approximated by Gaussian quantile centroids
    p = (jnp.arange(N_LEVELS, dtype=jnp.float32) + 0.5) / N_LEVELS
    centroids = jnp.sqrt(2.0) * jax.scipy.special.erfinv(2.0 * p - 1.0)  # [N_LEVELS]
    return {"x": x, "rot2": rot2, "centroids": centroids}


def reference(x, rot2, centroids):
    # quantize() reference path (CPU branch of PlanarQuantMSE.quantize)
    norms = jnp.clip(jnp.linalg.norm(x, axis=-1, keepdims=True), 1e-08, None)  # [B,1]
    x_unit = x / norms
    # _embed: pad to d_padded (pad=0 here since D is even) and reshape to groups of 2
    v = x_unit.reshape(x.shape[0], N_GROUPS, 2)
    c = rot2[..., 0]  # [N_GROUPS]
    s = rot2[..., 1]
    v0 = v[..., 0]
    v1 = v[..., 1]
    v_rot = jnp.stack([c * v0 - s * v1, s * v0 + c * v1], axis=-1)  # [B, G, 2]
    flat = v_rot.reshape(x.shape[0], -1)  # [B, D_PADDED]
    diffs = flat[..., None] - centroids  # [B, D_PADDED, N_LEVELS]
    indices = jnp.argmin(jnp.abs(diffs), axis=-1)  # [B, D_PADDED]
    v_q = jnp.take(centroids, indices, axis=0).reshape(v_rot.shape)  # [B, G, 2]
    c_inv = c
    s_inv = -s
    v_recon = jnp.stack(
        [c_inv * v_q[..., 0] + s_inv * v_q[..., 1],
         -s_inv * v_q[..., 0] + c_inv * v_q[..., 1]],
        axis=-1,
    )
    # _extract: flatten and take first D dims; rescale by stored norms
    x_hat = v_recon.reshape(x.shape[0], -1)[:, :D] * norms
    return x_hat

if __name__ == "__main__":
    import jax
    _d = setup_inputs()
    print(jax.jit(kernel)(*tuple(_d.values())))

</pallas_src>

<mosaic_0001>
#map = affine_map<(d0, d1) -> (0, 0)>
#map1 = affine_map<(d0, d1) -> (0)>
module attributes {stable_mosaic.version = 14 : i64} {
  func.func @k(%arg0: i32, %arg1: i32, %arg2: memref<9216x256xf32, #tpu.memory_space<hbm>>, %arg3: memref<256xf32, #tpu.memory_space<hbm>>, %arg4: memref<16xf32, #tpu.memory_space<hbm>>, %arg5: memref<2048x256xf32, #tpu.memory_space<hbm>>, %arg6: memref<32x256xf32, #tpu.memory_space<vmem>>, %arg7: memref<32x256xf32, #tpu.memory_space<vmem>>, %arg8: memref<256xf32, #tpu.memory_space<vmem>>, %arg9: memref<16xf32, #tpu.memory_space<vmem>>) attributes {dimension_semantics = [#tpu.dimension_semantics<core_parallel>, #tpu.dimension_semantics<subcore_parallel>], iteration_bounds = array<i64: 2, 16>, scalar_prefetch = 0 : i64, scratch_operands = 4 : i64, tpu.core_type = #tpu.core_type<sc_vector_subcore>, window_params = [{transform_indices = #map}, {transform_indices = #map1}, {transform_indices = #map1}, {transform_indices = #map}]} {
    %mul3A = arith.constant 2 : i32
    %mul3A_0 = arith.muli %arg1, %mul3A : i32
    %add3A = arith.addi %mul3A_0, %arg0 : i32
    %mul3A_1 = arith.constant 64 : i32
    %mul3A_2 = arith.muli %add3A, %mul3A_1 : i32
    "tpu.region"() ({
      %run_scoped3A = tpu.sem_alloc : memref<!tpu.dma_semaphore, #tpu.memory_space<semaphore_mem>>
      tpu.enqueue_dma source(%arg3 : memref<256xf32, #tpu.memory_space<hbm>>) target(%arg8 : memref<256xf32, #tpu.memory_space<vmem>>) target_semaphore(%run_scoped3A : memref<!tpu.dma_semaphore, #tpu.memory_space<semaphore_mem>>)
      tpu.wait_dma2 semaphore(%run_scoped3A : memref<!tpu.dma_semaphore, #tpu.memory_space<semaphore_mem>>) src(%arg3 : memref<256xf32, #tpu.memory_space<hbm>>) dst(%arg8 : memref<256xf32, #tpu.memory_space<vmem>>)
      tpu.yield
    }) : () -> ()
    "tpu.region"() ({
      %run_scoped3A = tpu.sem_alloc : memref<!tpu.dma_semaphore, #tpu.memory_space<semaphore_mem>>
      tpu.enqueue_dma source(%arg4 : memref<16xf32, #tpu.memory_space<hbm>>) target(%arg9 : memref<16xf32, #tpu.memory_space<vmem>>) target_semaphore(%run_scoped3A : memref<!tpu.dma_semaphore, #tpu.memory_space<semaphore_mem>>)
      tpu.wait_dma2 semaphore(%run_scoped3A : memref<!tpu.dma_semaphore, #tpu.memory_space<semaphore_mem>>) src(%arg4 : memref<16xf32, #tpu.memory_space<hbm>>) dst(%arg9 : memref<16xf32, #tpu.memory_space<vmem>>)
      tpu.yield
    }) : () -> ()
    %iota3A = tpu.iota {dimensions = array<i32: 0>} : vector<16xi32>
    %xor3A = arith.constant 1 : i32
    %xor3A_3 = vector.broadcast %xor3A : i32 to vector<16xi32>
    %xor3A_4 = arith.xori %iota3A, %xor3A_3 : vector<16xi32>
    %and3A = arith.constant 1 : i32
    %and3A_5 = vector.broadcast %and3A : i32 to vector<16xi32>
    %and3A_6 = arith.andi %iota3A, %and3A_5 : vector<16xi32>
    %eq3A = arith.constant 0 : i32
    %eq3A_7 = vector.broadcast %eq3A : i32 to vector<16xi32>
    %eq3A_8 = arith.cmpi eq, %and3A_6, %eq3A_7 : vector<16xi32>
    %get3A = arith.constant 0 : index
    %get3A_9 = tpu.vector_load %arg9[%get3A] {strides = array<i32>} : memref<16xf32, #tpu.memory_space<vmem>>, vector<16xf32>,
    %get3A_10 = vector.shape_cast %get3A_9 : vector<16xf32> to vector<16xf32>
    %add3A_11 = arith.constant 1 : i32
    %add3A_12 = vector.broadcast %add3A_11 : i32 to vector<16xi32>
    %add3A_13 = arith.addi %iota3A, %add3A_12 : vector<16xi32>
    %min3A = arith.constant 15 : i32
    %min3A_14 = vector.broadcast %min3A : i32 to vector<16xi32>
    %min3A_15 = arith.minsi %add3A_13, %min3A_14 : vector<16xi32>
    %broadcast_in_dim3A = vector.shape_cast %min3A_15 : vector<16xi32> to vector<16x1xi32>
    %gather3A = vector.shape_cast %broadcast_in_dim3A : vector<16x1xi32> to vector<16xi32>
    %gather3A_16 = tpu.dynamic_gather %get3A_10[%gather3A] in [0] : vector<16xf32>, vector<16xi32> -> vector<16xf32>
    %add3A_17 = arith.addf %get3A_10, %gather3A_16 : vector<16xf32>
    %mul3A_18 = arith.constant 5.000000e-01 : f32
    %mul3A_19 = vector.broadcast %mul3A_18 : f32 to vector<16xf32>
    %mul3A_20 = arith.mulf %mul3A_19, %add3A_17 : vector<16xf32>
    %broadcast_in_dim3A_21 = arith.constant 7 : i32
    %broadcast_in_dim3A_22 = vector.broadcast %broadcast_in_dim3A_21 : i32 to vector<16xi32>
    %broadcast_in_dim3A_23 = vector.shape_cast %broadcast_in_dim3A_22 : vector<16xi32> to vector<16x1xi32>
    %gather3A_24 = vector.shape_cast %broadcast_in_dim3A_23 : vector<16x1xi32> to vector<16xi32>
    %gather3A_25 = tpu.dynamic_gather %mul3A_20[%gather3A_24] in [0] : vector<16xf32>, vector<16xi32> -> vector<16xf32>
    %scan3A = arith.constant 0 : i32
    %scan3A_26 = arith.constant 0 : i32
    %scan3A_27 = arith.constant 2 : i32
    %scan3A_28 = arith.addi %scan3A_26, %scan3A_27 : i32
    %scan3A_29 = arith.constant 1 : i32
    %scan3A_30 = scf.for %scan3A_32 = %scan3A_26 to %scan3A_28 step %scan3A_29 iter_args(%scan3A_33 = %scan3A) -> (i32)  : i32 {
      %mul3A_34 = arith.constant 32 : i32
      %mul3A_35 = arith.muli %scan3A_32, %mul3A_34 : i32
      %add3A_36 = arith.addi %mul3A_2, %mul3A_35 : i32
      %add3A_37 = arith.constant 7168 : i32
      %add3A_38 = arith.addi %add3A_37, %add3A_36 : i32
      "tpu.region"() ({
        %run_scoped3A = tpu.sem_alloc : memref<!tpu.dma_semaphore, #tpu.memory_space<semaphore_mem>>
        %dma_start3A = arith.constant 0 : i32
        %dma_start3A_47 = tpu.memref_slice %arg2[%add3A_38, %dma_start3A] : memref<9216x256xf32, #tpu.memory_space<hbm>> -> memref<32x256xf32, #tpu.memory_space<hbm>>
        %dma_start3A_48 = arith.constant 0 : i32
        %dma_start3A_49 = tpu.memref_slice %arg2[%add3A_38, %dma_start3A_48] : memref<9216x256xf32, #tpu.memory_space<hbm>> -> memref<32x256xf32, #tpu.memory_space<hbm>>
        tpu.enqueue_dma source(%dma_start3A_49 : memref<32x256xf32, #tpu.memory_space<hbm>>) target(%arg6 : memref<32x256xf32, #tpu.memory_space<vmem>>) target_semaphore(%run_scoped3A : memref<!tpu.dma_semaphore, #tpu.memory_space<semaphore_mem>>)
        %dma_wait3A = arith.constant 0 : i32
        %dma_wait3A_50 = tpu.memref_slice %arg2[%add3A_38, %dma_wait3A] : memref<9216x256xf32, #tpu.memory_space<hbm>> -> memref<32x256xf32, #tpu.memory_space<hbm>>
        %dma_wait3A_51 = arith.constant 0 : i32
        %dma_wait3A_52 = tpu.memref_slice %arg2[%add3A_38, %dma_wait3A_51] : memref<9216x256xf32, #tpu.memory_space<hbm>> -> memref<32x256xf32, #tpu.memory_space<hbm>>
        tpu.wait_dma2 semaphore(%run_scoped3A : memref<!tpu.dma_semaphore, #tpu.memory_space<semaphore_mem>>) src(%dma_wait3A_52 : memref<32x256xf32, #tpu.memory_space<hbm>>) dst(%arg6 : memref<32x256xf32, #tpu.memory_space<vmem>>)
        tpu.yield
      }) : () -> ()
      %scan3A_39 = arith.constant 0 : i32
      %scan3A_40 = arith.constant 0 : i32
      %scan3A_41 = arith.constant 32 : i32
      %scan3A_42 = arith.addi %scan3A_40, %scan3A_41 : i32
      %scan3A_43 = arith.constant 1 : i32
      %scan3A_44 = scf.for %scan3A_47 = %scan3A_40 to %scan3A_42 step %scan3A_43 iter_args(%scan3A_48 = %scan3A_39) -> (i32)  : i32 {
        %broadcast_in_dim3A_49 = arith.constant 0.000000e+00 : f32
        %broadcast_in_dim3A_50 = vector.broadcast %broadcast_in_dim3A_49 : f32 to vector<16xf32>
        %broadcast_in_dim3A_51 = arith.constant 0.000000e+00 : f32
        %broadcast_in_dim3A_52 = vector.broadcast %broadcast_in_dim3A_51 : f32 to vector<16xf32>
        %broadcast_in_dim3A_53 = arith.constant 0.000000e+00 : f32
        %broadcast_in_dim3A_54 = vector.broadcast %broadcast_in_dim3A_53 : f32 to vector<16xf32>
        %broadcast_in_dim3A_55 = arith.constant 0.000000e+00 : f32
        %broadcast_in_dim3A_56 = vector.broadcast %broadcast_in_dim3A_55 : f32 to vector<16xf32>
        %scan3A_57 = arith.constant 0 : i32
        %scan3A_58 = arith.constant 4 : i32
        %scan3A_59 = arith.addi %scan3A_57, %scan3A_58 : i32
        %scan3A_60 = arith.constant 1 : i32
        %scan3A_61:4 = scf.for %scan3A_142 = %scan3A_57 to %scan3A_59 step %scan3A_60 iter_args(%scan3A_143 = %broadcast_in_dim3A_50, %scan3A_144 = %broadcast_in_dim3A_52, %scan3A_145 = %broadcast_in_dim3A_54, %scan3A_146 = %broadcast_in_dim3A_56) -> (vector<16xf32>, vector<16xf32>, vector<16xf32>, vector<16xf32>)  : i32 {
          %mul3A_147 = arith.constant 64 : i32
          %mul3A_148 = arith.muli %scan3A_142, %mul3A_147 : i32
          %add3A_149 = arith.constant 0 : i32
          %add3A_150 = arith.addi %mul3A_148, %add3A_149 : i32
          %get3A_151 = arith.index_cast %scan3A_47 : i32 to index
          %get3A_152 = arith.index_cast %add3A_150 : i32 to index
          %get3A_153 = tpu.vector_load %arg6[%get3A_151, %get3A_152] {strides = array<i32>} : memref<32x256xf32, #tpu.memory_space<vmem>>, vector<1x16xf32>,
          %get3A_154 = vector.shape_cast %get3A_153 : vector<1x16xf32> to vector<16xf32>
          %mul3A_155 = arith.constant 64 : i32
          %mul3A_156 = arith.muli %scan3A_142, %mul3A_155 : i32
          %add3A_157 = arith.constant 16 : i32
          %add3A_158 = arith.addi %mul3A_156, %add3A_157 : i32
          %get3A_159 = arith.index_cast %scan3A_47 : i32 to index
          %get3A_160 = arith.index_cast %add3A_158 : i32 to index
          %get3A_161 = tpu.vector_load %arg6[%get3A_159, %get3A_160] {strides = array<i32>} : memref<32x256xf32, #tpu.memory_space<vmem>>, vector<1x16xf32>,
          %get3A_162 = vector.shape_cast %get3A_161 : vector<1x16xf32> to vector<16xf32>
          %mul3A_163 = arith.constant 64 : i32
          %mul3A_164 = arith.muli %scan3A_142, %mul3A_163 : i32
          %add3A_165 = arith.constant 32 : i32
          %add3A_166 = arith.addi %mul3A_164, %add3A_165 : i32
          %get3A_167 = arith.index_cast %scan3A_47 : i32 to index
          %get3A_168 = arith.index_cast %add3A_166 : i32 to index
          %get3A_169 = tpu.vector_load %arg6[%get3A_167, %get3A_168] {strides = array<i32>} : memref<32x256xf32, #tpu.memory_space<vmem>>, vector<1x16xf32>,
          %get3A_170 = vector.shape_cast %get3A_169 : vector<1x16xf32> to vector<16xf32>
          %mul3A_171 = arith.constant 64 : i32
          %mul3A_172 = arith.muli %scan3A_142, %mul3A_171 : i32
          %add3A_173 = arith.constant 48 : i32
          %add3A_174 = arith.addi %mul3A_172, %add3A_173 : i32
          %get3A_175 = arith.index_cast %scan3A_47 : i32 to index
          %get3A_176 = arith.index_cast %add3A_174 : i32 to index
          %get3A_177 = tpu.vector_load %arg6[%get3A_175, %get3A_176] {strides = array<i32>} : memref<32x256xf32, #tpu.memory_space<vmem>>, vector<1x16xf32>,
          %get3A_178 = vector.shape_cast %get3A_177 : vector<1x16xf32> to vector<16xf32>
          %mul3A_179 = arith.mulf %get3A_154, %get3A_154 : vector<16xf32>
          %add3A_180 = arith.addf %scan3A_143, %mul3A_179 : vector<16xf32>
          %mul3A_181 = arith.mulf %get3A_162, %get3A_162 : vector<16xf32>
          %add3A_182 = arith.addf %scan3A_144, %mul3A_181 : vector<16xf32>
          %mul3A_183 = arith.mulf %get3A_170, %get3A_170 : vector<16xf32>
          %add3A_184 = arith.addf %scan3A_145, %mul3A_183 : vector<16xf32>
          %mul3A_185 = arith.mulf %get3A_178, %get3A_178 : vector<16xf32>
          %add3A_186 = arith.addf %scan3A_146, %mul3A_185 : vector<16xf32>
          scf.yield %add3A_180, %add3A_182, %add3A_184, %add3A_186 : vector<16xf32>, vector<16xf32>, vector<16xf32>, vector<16xf32>
        }
        %scan3A_62 = arith.constant 4 : i32
        %add3A_63 = arith.addf %scan3A_61#0, %scan3A_61#1 : vector<16xf32>
        %add3A_64 = arith.addf %scan3A_61#2, %scan3A_61#3 : vector<16xf32>
        %add3A_65 = arith.addf %add3A_63, %add3A_64 : vector<16xf32>
        %xor3A_66 = arith.constant 8 : i32
        %xor3A_67 = vector.broadcast %xor3A_66 : i32 to vector<16xi32>
        %xor3A_68 = arith.xori %iota3A, %xor3A_67 : vector<16xi32>
        %broadcast_in_dim3A_69 = vector.shape_cast %xor3A_68 : vector<16xi32> to vector<16x1xi32>
        %gather3A_70 = vector.shape_cast %broadcast_in_dim3A_69 : vector<16x1xi32> to vector<16xi32>
        %gather3A_71 = tpu.dynamic_gather %add3A_65[%gather3A_70] in [0] : vector<16xf32>, vector<16xi32> -> vector<16xf32>
        %add3A_72 = arith.addf %add3A_65, %gather3A_71 : vector<16xf32>
        %xor3A_73 = arith.constant 4 : i32
        %xor3A_74 = vector.broadcast %xor3A_73 : i32 to vector<16xi32>
        %xor3A_75 = arith.xori %iota3A, %xor3A_74 : vector<16xi32>
        %broadcast_in_dim3A_76 = vector.shape_cast %xor3A_75 : vector<16xi32> to vector<16x1xi32>
        %gather3A_77 = vector.shape_cast %broadcast_in_dim3A_76 : vector<16x1xi32> to vector<16xi32>
        %gather3A_78 = tpu.dynamic_gather %add3A_72[%gather3A_77] in [0] : vector<16xf32>, vector<16xi32> -> vector<16xf32>
        %add3A_79 = arith.addf %add3A_72, %gather3A_78 : vector<16xf32>
        %xor3A_80 = arith.constant 2 : i32
        %xor3A_81 = vector.broadcast %xor3A_80 : i32 to vector<16xi32>
        %xor3A_82 = arith.xori %iota3A, %xor3A_81 : vector<16xi32>
        %broadcast_in_dim3A_83 = vector.shape_cast %xor3A_82 : vector<16xi32> to vector<16x1xi32>
        %gather3A_84 = vector.shape_cast %broadcast_in_dim3A_83 : vector<16x1xi32> to vector<16xi32>
        %gather3A_85 = tpu.dynamic_gather %add3A_79[%gather3A_84] in [0] : vector<16xf32>, vector<16xi32> -> vector<16xf32>
        %add3A_86 = arith.addf %add3A_79, %gather3A_85 : vector<16xf32>
        %xor3A_87 = arith.constant 1 : i32
        %xor3A_88 = vector.broadcast %xor3A_87 : i32 to vector<16xi32>
        %xor3A_89 = arith.xori %iota3A, %xor3A_88 : vector<16xi32>
        %broadcast_in_dim3A_90 = vector.shape_cast %xor3A_89 : vector<16xi32> to vector<16x1xi32>
        %gather3A_91 = vector.shape_cast %broadcast_in_dim3A_90 : vector<16x1xi32> to vector<16xi32>
        %gather3A_92 = tpu.dynamic_gather %add3A_86[%gather3A_91] in [0] : vector<16xf32>, vector<16xi32> -> vector<16xf32>
        %add3A_93 = arith.addf %add3A_86, %gather3A_92 : vector<16xf32>
        %max3A = arith.constant 1.000000e-30 : f32
        %max3A_94 = vector.broadcast %max3A : f32 to vector<16xf32>
        %max3A_95 = arith.maximumf %add3A_93, %max3A_94 : vector<16xf32>
        %bitcast_convert_type3A = tpu.bitcast %max3A_95 : vector<16xf32> -> vector<16xi32>
        %shift_right_arithmetic3A = arith.constant 1 : i32
        %shift_right_arithmetic3A_96 = vector.broadcast %shift_right_arithmetic3A : i32 to vector<16xi32>
        %shift_right_arithmetic3A_97 = arith.shrsi %bitcast_convert_type3A, %shift_right_arithmetic3A_96 : vector<16xi32>
        %sub3A = arith.constant 1597463007 : i32
        %sub3A_98 = vector.broadcast %sub3A : i32 to vector<16xi32>
        %sub3A_99 = arith.subi %sub3A_98, %shift_right_arithmetic3A_97 : vector<16xi32>
        %bitcast_convert_type3A_100 = tpu.bitcast %sub3A_99 : vector<16xi32> -> vector<16xf32>
        %mul3A_101 = arith.constant 5.000000e-01 : f32
        %mul3A_102 = vector.broadcast %mul3A_101 : f32 to vector<16xf32>
        %mul3A_103 = arith.mulf %mul3A_102, %max3A_95 : vector<16xf32>
        %mul3A_104 = arith.mulf %mul3A_103, %bitcast_convert_type3A_100 : vector<16xf32>
        %mul3A_105 = arith.mulf %mul3A_104, %bitcast_convert_type3A_100 : vector<16xf32>
        %sub3A_106 = arith.constant 1.500000e+00 : f32
        %sub3A_107 = vector.broadcast %sub3A_106 : f32 to vector<16xf32>
        %sub3A_108 = arith.subf %sub3A_107, %mul3A_105 : vector<16xf32>
        %mul3A_109 = arith.mulf %bitcast_convert_type3A_100, %sub3A_108 : vector<16xf32>
        %mul3A_110 = arith.constant 5.000000e-01 : f32
        %mul3A_111 = vector.broadcast %mul3A_110 : f32 to vector<16xf32>
        %mul3A_112 = arith.mulf %mul3A_111, %max3A_95 : vector<16xf32>
        %mul3A_113 = arith.mulf %mul3A_112, %mul3A_109 : vector<16xf32>
        %mul3A_114 = arith.mulf %mul3A_113, %mul3A_109 : vector<16xf32>
        %sub3A_115 = arith.constant 1.500000e+00 : f32
        %sub3A_116 = vector.broadcast %sub3A_115 : f32 to vector<16xf32>
        %sub3A_117 = arith.subf %sub3A_116, %mul3A_114 : vector<16xf32>
        %mul3A_118 = arith.mulf %mul3A_109, %sub3A_117 : vector<16xf32>
        %mul3A_119 = arith.constant 5.000000e-01 : f32
        %mul3A_120 = vector.broadcast %mul3A_119 : f32 to vector<16xf32>
        %mul3A_121 = arith.mulf %mul3A_120, %max3A_95 : vector<16xf32>
        %mul3A_122 = arith.mulf %mul3A_121, %mul3A_118 : vector<16xf32>
        %mul3A_123 = arith.mulf %mul3A_122, %mul3A_118 : vector<16xf32>
        %sub3A_124 = arith.constant 1.500000e+00 : f32
        %sub3A_125 = vector.broadcast %sub3A_124 : f32 to vector<16xf32>
        %sub3A_126 = arith.subf %sub3A_125, %mul3A_123 : vector<16xf32>
        %mul3A_127 = arith.mulf %mul3A_118, %sub3A_126 : vector<16xf32>
        %mul3A_128 = arith.mulf %max3A_95, %mul3A_127 : vector<16xf32>
        %max3A_129 = arith.constant 9.99999993E-9 : f32
        %max3A_130 = vector.broadcast %max3A_129 : f32 to vector<16xf32>
        %max3A_131 = arith.maximumf %mul3A_128, %max3A_130 : vector<16xf32>
        %div3A = arith.constant 1.000000e+00 : f32
        %div3A_132 = vector.broadcast %div3A : f32 to vector<16xf32>
        %div3A_133 = arith.divf %div3A_132, %max3A_131 : vector<16xf32>
        %scan3A_134 = arith.constant 0 : i32
        %scan3A_135 = arith.constant 0 : i32
        %scan3A_136 = arith.constant 4 : i32
        %scan3A_137 = arith.addi %scan3A_135, %scan3A_136 : i32
        %scan3A_138 = arith.constant 1 : i32
        %scan3A_139 = scf.for %scan3A_142 = %scan3A_135 to %scan3A_137 step %scan3A_138 iter_args(%scan3A_143 = %scan3A_134) -> (i32)  : i32 {
          %mul3A_144 = arith.constant 64 : i32
          %mul3A_145 = arith.muli %scan3A_142, %mul3A_144 : i32
          %add3A_146 = arith.constant 0 : i32
          %add3A_147 = arith.addi %mul3A_145, %add3A_146 : i32
          %mul3A_148 = arith.constant 64 : i32
          %mul3A_149 = arith.muli %scan3A_142, %mul3A_148 : i32
          %add3A_150 = arith.constant 16 : i32
          %add3A_151 = arith.addi %mul3A_149, %add3A_150 : i32
          %mul3A_152 = arith.constant 64 : i32
          %mul3A_153 = arith.muli %scan3A_142, %mul3A_152 : i32
          %add3A_154 = arith.constant 32 : i32
          %add3A_155 = arith.addi %mul3A_153, %add3A_154 : i32
          %mul3A_156 = arith.constant 64 : i32
          %mul3A_157 = arith.muli %scan3A_142, %mul3A_156 : i32
          %add3A_158 = arith.constant 48 : i32
          %add3A_159 = arith.addi %mul3A_157, %add3A_158 : i32
          %get3A_160 = arith.index_cast %scan3A_47 : i32 to index
          %get3A_161 = arith.index_cast %add3A_147 : i32 to index
          %get3A_162 = tpu.vector_load %arg6[%get3A_160, %get3A_161] {strides = array<i32>} : memref<32x256xf32, #tpu.memory_space<vmem>>, vector<1x16xf32>,
          %get3A_163 = vector.shape_cast %get3A_162 : vector<1x16xf32> to vector<16xf32>
          %get3A_164 = arith.index_cast %scan3A_47 : i32 to index
          %get3A_165 = arith.index_cast %add3A_151 : i32 to index
          %get3A_166 = tpu.vector_load %arg6[%get3A_164, %get3A_165] {strides = array<i32>} : memref<32x256xf32, #tpu.memory_space<vmem>>, vector<1x16xf32>,
          %get3A_167 = vector.shape_cast %get3A_166 : vector<1x16xf32> to vector<16xf32>
          %get3A_168 = arith.index_cast %scan3A_47 : i32 to index
          %get3A_169 = arith.index_cast %add3A_155 : i32 to index
          %get3A_170 = tpu.vector_load %arg6[%get3A_168, %get3A_169] {strides = array<i32>} : memref<32x256xf32, #tpu.memory_space<vmem>>, vector<1x16xf32>,
          %get3A_171 = vector.shape_cast %get3A_170 : vector<1x16xf32> to vector<16xf32>
          %get3A_172 = arith.index_cast %scan3A_47 : i32 to index
          %get3A_173 = arith.index_cast %add3A_159 : i32 to index
          %get3A_174 = tpu.vector_load %arg6[%get3A_172, %get3A_173] {strides = array<i32>} : memref<32x256xf32, #tpu.memory_space<vmem>>, vector<1x16xf32>,
          %get3A_175 = vector.shape_cast %get3A_174 : vector<1x16xf32> to vector<16xf32>
          %get3A_176 = arith.index_cast %add3A_147 : i32 to index
          %get3A_177 = tpu.vector_load %arg8[%get3A_176] {strides = array<i32>} : memref<256xf32, #tpu.memory_space<vmem>>, vector<16xf32>,
          %get3A_178 = vector.shape_cast %get3A_177 : vector<16xf32> to vector<16xf32>
          %get3A_179 = arith.index_cast %add3A_151 : i32 to index
          %get3A_180 = tpu.vector_load %arg8[%get3A_179] {strides = array<i32>} : memref<256xf32, #tpu.memory_space<vmem>>, vector<16xf32>,
          %get3A_181 = vector.shape_cast %get3A_180 : vector<16xf32> to vector<16xf32>
          %get3A_182 = arith.index_cast %add3A_155 : i32 to index
          %get3A_183 = tpu.vector_load %arg8[%get3A_182] {strides = array<i32>} : memref<256xf32, #tpu.memory_space<vmem>>, vector<16xf32>,
          %get3A_184 = vector.shape_cast %get3A_183 : vector<16xf32> to vector<16xf32>
          %get3A_185 = arith.index_cast %add3A_159 : i32 to index
          %get3A_186 = tpu.vector_load %arg8[%get3A_185] {strides = array<i32>} : memref<256xf32, #tpu.memory_space<vmem>>, vector<16xf32>,
          %get3A_187 = vector.shape_cast %get3A_186 : vector<16xf32> to vector<16xf32>
          %broadcast_in_dim3A_188 = vector.shape_cast %xor3A_4 : vector<16xi32> to vector<16x1xi32>
          %gather3A_189 = vector.shape_cast %broadcast_in_dim3A_188 : vector<16x1xi32> to vector<16xi32>
          %gather3A_190 = tpu.dynamic_gather %get3A_178[%gather3A_189] in [0] : vector<16xf32>, vector<16xi32> -> vector<16xf32>
          %broadcast_in_dim3A_191 = vector.shape_cast %xor3A_4 : vector<16xi32> to vector<16x1xi32>
          %gather3A_192 = vector.shape_cast %broadcast_in_dim3A_191 : vector<16x1xi32> to vector<16xi32>
          %gather3A_193 = tpu.dynamic_gather %get3A_181[%gather3A_192] in [0] : vector<16xf32>, vector<16xi32> -> vector<16xf32>
          %broadcast_in_dim3A_194 = vector.shape_cast %xor3A_4 : vector<16xi32> to vector<16x1xi32>
          %gather3A_195 = vector.shape_cast %broadcast_in_dim3A_194 : vector<16x1xi32> to vector<16xi32>
          %gather3A_196 = tpu.dynamic_gather %get3A_184[%gather3A_195] in [0] : vector<16xf32>, vector<16xi32> -> vector<16xf32>
          %broadcast_in_dim3A_197 = vector.shape_cast %xor3A_4 : vector<16xi32> to vector<16x1xi32>
          %gather3A_198 = vector.shape_cast %broadcast_in_dim3A_197 : vector<16x1xi32> to vector<16xi32>
          %gather3A_199 = tpu.dynamic_gather %get3A_187[%gather3A_198] in [0] : vector<16xf32>, vector<16xi32> -> vector<16xf32>
          %select_n3A = arith.select %eq3A_8, %get3A_178, %gather3A_190 : vector<16xi1>, vector<16xf32>
          %select_n3A_200 = arith.select %eq3A_8, %get3A_181, %gather3A_193 : vector<16xi1>, vector<16xf32>
          %select_n3A_201 = arith.select %eq3A_8, %get3A_184, %gather3A_196 : vector<16xi1>, vector<16xf32>
          %select_n3A_202 = arith.select %eq3A_8, %get3A_187, %gather3A_199 : vector<16xi1>, vector<16xf32>
          %neg3A = arith.constant 0.000000e+00 : f32
          %neg3A_203 = vector.broadcast %neg3A : f32 to vector<16xf32>
          %neg3A_204 = arith.subf %neg3A_203, %gather3A_190 : vector<16xf32>
          %select_n3A_205 = arith.select %eq3A_8, %neg3A_204, %get3A_178 : vector<16xi1>, vector<16xf32>
          %neg3A_206 = arith.constant 0.000000e+00 : f32
          %neg3A_207 = vector.broadcast %neg3A_206 : f32 to vector<16xf32>
          %neg3A_208 = arith.subf %neg3A_207, %gather3A_193 : vector<16xf32>
          %select_n3A_209 = arith.select %eq3A_8, %neg3A_208, %get3A_181 : vector<16xi1>, vector<16xf32>
          %neg3A_210 = arith.constant 0.000000e+00 : f32
          %neg3A_211 = vector.broadcast %neg3A_210 : f32 to vector<16xf32>
          %neg3A_212 = arith.subf %neg3A_211, %gather3A_196 : vector<16xf32>
          %select_n3A_213 = arith.select %eq3A_8, %neg3A_212, %get3A_184 : vector<16xi1>, vector<16xf32>
          %neg3A_214 = arith.constant 0.000000e+00 : f32
          %neg3A_215 = vector.broadcast %neg3A_214 : f32 to vector<16xf32>
          %neg3A_216 = arith.subf %neg3A_215, %gather3A_199 : vector<16xf32>
          %select_n3A_217 = arith.select %eq3A_8, %neg3A_216, %get3A_187 : vector<16xi1>, vector<16xf32>
          %mul3A_218 = arith.mulf %select_n3A, %get3A_163 : vector<16xf32>
          %broadcast_in_dim3A_219 = vector.shape_cast %xor3A_4 : vector<16xi32> to vector<16x1xi32>
          %gather3A_220 = vector.shape_cast %broadcast_in_dim3A_219 : vector<16x1xi32> to vector<16xi32>
          %gather3A_221 = tpu.dynamic_gather %get3A_163[%gather3A_220] in [0] : vector<16xf32>, vector<16xi32> -> vector<16xf32>
          %mul3A_222 = arith.mulf %select_n3A_205, %gather3A_221 : vector<16xf32>
          %add3A_223 = arith.addf %mul3A_218, %mul3A_222 : vector<16xf32>
          %mul3A_224 = arith.mulf %add3A_223, %div3A_133 : vector<16xf32>
          %mul3A_225 = arith.mulf %select_n3A_200, %get3A_167 : vector<16xf32>
          %broadcast_in_dim3A_226 = vector.shape_cast %xor3A_4 : vector<16xi32> to vector<16x1xi32>
          %gather3A_227 = vector.shape_cast %broadcast_in_dim3A_226 : vector<16x1xi32> to vector<16xi32>
          %gather3A_228 = tpu.dynamic_gather %get3A_167[%gather3A_227] in [0] : vector<16xf32>, vector<16xi32> -> vector<16xf32>
          %mul3A_229 = arith.mulf %select_n3A_209, %gather3A_228 : vector<16xf32>
          %add3A_230 = arith.addf %mul3A_225, %mul3A_229 : vector<16xf32>
          %mul3A_231 = arith.mulf %add3A_230, %div3A_133 : vector<16xf32>
          %mul3A_232 = arith.mulf %select_n3A_201, %get3A_171 : vector<16xf32>
          %broadcast_in_dim3A_233 = vector.shape_cast %xor3A_4 : vector<16xi32> to vector<16x1xi32>
          %gather3A_234 = vector.shape_cast %broadcast_in_dim3A_233 : vector<16x1xi32> to vector<16xi32>
          %gather3A_235 = tpu.dynamic_gather %get3A_171[%gather3A_234] in [0] : vector<16xf32>, vector<16xi32> -> vector<16xf32>
          %mul3A_236 = arith.mulf %select_n3A_213, %gather3A_235 : vector<16xf32>
          %add3A_237 = arith.addf %mul3A_232, %mul3A_236 : vector<16xf32>
          %mul3A_238 = arith.mulf %add3A_237, %div3A_133 : vector<16xf32>
          %mul3A_239 = arith.mulf %select_n3A_202, %get3A_175 : vector<16xf32>
          %broadcast_in_dim3A_240 = vector.shape_cast %xor3A_4 : vector<16xi32> to vector<16x1xi32>
          %gather3A_241 = vector.shape_cast %broadcast_in_dim3A_240 : vector<16x1xi32> to vector<16xi32>
          %gather3A_242 = tpu.dynamic_gather %get3A_175[%gather3A_241] in [0] : vector<16xf32>, vector<16xi32> -> vector<16xf32>
          %mul3A_243 = arith.mulf %select_n3A_217, %gather3A_242 : vector<16xf32>
          %add3A_244 = arith.addf %mul3A_239, %mul3A_243 : vector<16xf32>
          %mul3A_245 = arith.mulf %add3A_244, %div3A_133 : vector<16xf32>
          %gt3A = arith.cmpf ogt, %mul3A_224, %gather3A_25 : vector<16xf32>
          %jit3A = arith.constant 8 : i32
          %jit3A_246 = arith.constant 0 : i32
          %broadcast_in_dim3A_247 = vector.broadcast %jit3A : i32 to vector<16xi32>
          %broadcast_in_dim3A_248 = vector.broadcast %jit3A_246 : i32 to vector<16xi32>
          %select_n3A_249 = arith.select %gt3A, %broadcast_in_dim3A_247, %broadcast_in_dim3A_248 : vector<16xi1>, vector<16xi32>
          %gt3A_250 = arith.cmpf ogt, %mul3A_231, %gather3A_25 : vector<16xf32>
          %jit3A_251 = arith.constant 8 : i32
          %jit3A_252 = arith.constant 0 : i32
          %broadcast_in_dim3A_253 = vector.broadcast %jit3A_251 : i32 to vector<16xi32>
          %broadcast_in_dim3A_254 = vector.broadcast %jit3A_252 : i32 to vector<16xi32>
          %select_n3A_255 = arith.select %gt3A_250, %broadcast_in_dim3A_253, %broadcast_in_dim3A_254 : vector<16xi1>, vector<16xi32>
          %gt3A_256 = arith.cmpf ogt, %mul3A_238, %gather3A_25 : vector<16xf32>
          %jit3A_257 = arith.constant 8 : i32
          %jit3A_258 = arith.constant 0 : i32
          %broadcast_in_dim3A_259 = vector.broadcast %jit3A_257 : i32 to vector<16xi32>
          %broadcast_in_dim3A_260 = vector.broadcast %jit3A_258 : i32 to vector<16xi32>
          %select_n3A_261 = arith.select %gt3A_256, %broadcast_in_dim3A_259, %broadcast_in_dim3A_260 : vector<16xi1>, vector<16xi32>
          %gt3A_262 = arith.cmpf ogt, %mul3A_245, %gather3A_25 : vector<16xf32>
          %jit3A_263 = arith.constant 8 : i32
          %jit3A_264 = arith.constant 0 : i32
          %broadcast_in_dim3A_265 = vector.broadcast %jit3A_263 : i32 to vector<16xi32>
          %broadcast_in_dim3A_266 = vector.broadcast %jit3A_264 : i32 to vector<16xi32>
          %select_n3A_267 = arith.select %gt3A_262, %broadcast_in_dim3A_265, %broadcast_in_dim3A_266 : vector<16xi1>, vector<16xi32>
          %or3A = arith.constant 3 : i32
          %or3A_268 = vector.broadcast %or3A : i32 to vector<16xi32>
          %or3A_269 = arith.ori %select_n3A_249, %or3A_268 : vector<16xi32>
          %broadcast_in_dim3A_270 = vector.shape_cast %or3A_269 : vector<16xi32> to vector<16x1xi32>
          %gather3A_271 = vector.shape_cast %broadcast_in_dim3A_270 : vector<16x1xi32> to vector<16xi32>
          %gather3A_272 = tpu.dynamic_gather %mul3A_20[%gather3A_271] in [0] : vector<16xf32>, vector<16xi32> -> vector<16xf32>
          %or3A_273 = arith.constant 3 : i32
          %or3A_274 = vector.broadcast %or3A_273 : i32 to vector<16xi32>
          %or3A_275 = arith.ori %select_n3A_255, %or3A_274 : vector<16xi32>
          %broadcast_in_dim3A_276 = vector.shape_cast %or3A_275 : vector<16xi32> to vector<16x1xi32>
          %gather3A_277 = vector.shape_cast %broadcast_in_dim3A_276 : vector<16x1xi32> to vector<16xi32>
          %gather3A_278 = tpu.dynamic_gather %mul3A_20[%gather3A_277] in [0] : vector<16xf32>, vector<16xi32> -> vector<16xf32>
          %or3A_279 = arith.constant 3 : i32
          %or3A_280 = vector.broadcast %or3A_279 : i32 to vector<16xi32>
          %or3A_281 = arith.ori %select_n3A_261, %or3A_280 : vector<16xi32>
          %broadcast_in_dim3A_282 = vector.shape_cast %or3A_281 : vector<16xi32> to vector<16x1xi32>
          %gather3A_283 = vector.shape_cast %broadcast_in_dim3A_282 : vector<16x1xi32> to vector<16xi32>
          %gather3A_284 = tpu.dynamic_gather %mul3A_20[%gather3A_283] in [0] : vector<16xf32>, vector<16xi32> -> vector<16xf32>
          %or3A_285 = arith.constant 3 : i32
          %or3A_286 = vector.broadcast %or3A_285 : i32 to vector<16xi32>
          %or3A_287 = arith.ori %select_n3A_267, %or3A_286 : vector<16xi32>
          %broadcast_in_dim3A_288 = vector.shape_cast %or3A_287 : vector<16xi32> to vector<16x1xi32>
          %gather3A_289 = vector.shape_cast %broadcast_in_dim3A_288 : vector<16x1xi32> to vector<16xi32>
          %gather3A_290 = tpu.dynamic_gather %mul3A_20[%gather3A_289] in [0] : vector<16xf32>, vector<16xi32> -> vector<16xf32>
          %gt3A_291 = arith.cmpf ogt, %mul3A_224, %gather3A_272 : vector<16xf32>
          %jit3A_292 = arith.constant 4 : i32
          %jit3A_293 = arith.constant 0 : i32
          %broadcast_in_dim3A_294 = vector.broadcast %jit3A_292 : i32 to vector<16xi32>
          %broadcast_in_dim3A_295 = vector.broadcast %jit3A_293 : i32 to vector<16xi32>
          %select_n3A_296 = arith.select %gt3A_291, %broadcast_in_dim3A_294, %broadcast_in_dim3A_295 : vector<16xi1>, vector<16xi32>
          %or3A_297 = arith.ori %select_n3A_249, %select_n3A_296 : vector<16xi32>
          %gt3A_298 = arith.cmpf ogt, %mul3A_231, %gather3A_278 : vector<16xf32>
          %jit3A_299 = arith.constant 4 : i32
          %jit3A_300 = arith.constant 0 : i32
          %broadcast_in_dim3A_301 = vector.broadcast %jit3A_299 : i32 to vector<16xi32>
          %broadcast_in_dim3A_302 = vector.broadcast %jit3A_300 : i32 to vector<16xi32>
          %select_n3A_303 = arith.select %gt3A_298, %broadcast_in_dim3A_301, %broadcast_in_dim3A_302 : vector<16xi1>, vector<16xi32>
          %or3A_304 = arith.ori %select_n3A_255, %select_n3A_303 : vector<16xi32>
          %gt3A_305 = arith.cmpf ogt, %mul3A_238, %gather3A_284 : vector<16xf32>
          %jit3A_306 = arith.constant 4 : i32
          %jit3A_307 = arith.constant 0 : i32
          %broadcast_in_dim3A_308 = vector.broadcast %jit3A_306 : i32 to vector<16xi32>
          %broadcast_in_dim3A_309 = vector.broadcast %jit3A_307 : i32 to vector<16xi32>
          %select_n3A_310 = arith.select %gt3A_305, %broadcast_in_dim3A_308, %broadcast_in_dim3A_309 : vector<16xi1>, vector<16xi32>
          %or3A_311 = arith.ori %select_n3A_261, %select_n3A_310 : vector<16xi32>
          %gt3A_312 = arith.cmpf ogt, %mul3A_245, %gather3A_290 : vector<16xf32>
          %jit3A_313 = arith.constant 4 : i32
          %jit3A_314 = arith.constant 0 : i32
          %broadcast_in_dim3A_315 = vector.broadcast %jit3A_313 : i32 to vector<16xi32>
          %broadcast_in_dim3A_316 = vector.broadcast %jit3A_314 : i32 to vector<16xi32>
          %select_n3A_317 = arith.select %gt3A_312, %broadcast_in_dim3A_315, %broadcast_in_dim3A_316 : vector<16xi1>, vector<16xi32>
          %or3A_318 = arith.ori %select_n3A_267, %select_n3A_317 : vector<16xi32>
          %or3A_319 = arith.constant 1 : i32
          %or3A_320 = vector.broadcast %or3A_319 : i32 to vector<16xi32>
          %or3A_321 = arith.ori %or3A_297, %or3A_320 : vector<16xi32>
          %broadcast_in_dim3A_322 = vector.shape_cast %or3A_321 : vector<16xi32> to vector<16x1xi32>
          %gather3A_323 = vector.shape_cast %broadcast_in_dim3A_322 : vector<16x1xi32> to vector<16xi32>
          %gather3A_324 = tpu.dynamic_gather %mul3A_20[%gather3A_323] in [0] : vector<16xf32>, vector<16xi32> -> vector<16xf32>
          %or3A_325 = arith.constant 1 : i32
          %or3A_326 = vector.broadcast %or3A_325 : i32 to vector<16xi32>
          %or3A_327 = arith.ori %or3A_304, %or3A_326 : vector<16xi32>
          %broadcast_in_dim3A_328 = vector.shape_cast %or3A_327 : vector<16xi32> to vector<16x1xi32>
          %gather3A_329 = vector.shape_cast %broadcast_in_dim3A_328 : vector<16x1xi32> to vector<16xi32>
          %gather3A_330 = tpu.dynamic_gather %mul3A_20[%gather3A_329] in [0] : vector<16xf32>, vector<16xi32> -> vector<16xf32>
          %or3A_331 = arith.constant 1 : i32
          %or3A_332 = vector.broadcast %or3A_331 : i32 to vector<16xi32>
          %or3A_333 = arith.ori %or3A_311, %or3A_332 : vector<16xi32>
          %broadcast_in_dim3A_334 = vector.shape_cast %or3A_333 : vector<16xi32> to vector<16x1xi32>
          %gather3A_335 = vector.shape_cast %broadcast_in_dim3A_334 : vector<16x1xi32> to vector<16xi32>
          %gather3A_336 = tpu.dynamic_gather %mul3A_20[%gather3A_335] in [0] : vector<16xf32>, vector<16xi32> -> vector<16xf32>
          %or3A_337 = arith.constant 1 : i32
          %or3A_338 = vector.broadcast %or3A_337 : i32 to vector<16xi32>
          %or3A_339 = arith.ori %or3A_318, %or3A_338 : vector<16xi32>
          %broadcast_in_dim3A_340 = vector.shape_cast %or3A_339 : vector<16xi32> to vector<16x1xi32>
          %gather3A_341 = vector.shape_cast %broadcast_in_dim3A_340 : vector<16x1xi32> to vector<16xi32>
          %gather3A_342 = tpu.dynamic_gather %mul3A_20[%gather3A_341] in [0] : vector<16xf32>, vector<16xi32> -> vector<16xf32>
          %gt3A_343 = arith.cmpf ogt, %mul3A_224, %gather3A_324 : vector<16xf32>
          %jit3A_344 = arith.constant 2 : i32
          %jit3A_345 = arith.constant 0 : i32
          %broadcast_in_dim3A_346 = vector.broadcast %jit3A_344 : i32 to vector<16xi32>
          %broadcast_in_dim3A_347 = vector.broadcast %jit3A_345 : i32 to vector<16xi32>
          %select_n3A_348 = arith.select %gt3A_343, %broadcast_in_dim3A_346, %broadcast_in_dim3A_347 : vector<16xi1>, vector<16xi32>
          %or3A_349 = arith.ori %or3A_297, %select_n3A_348 : vector<16xi32>
          %gt3A_350 = arith.cmpf ogt, %mul3A_231, %gather3A_330 : vector<16xf32>
          %jit3A_351 = arith.constant 2 : i32
          %jit3A_352 = arith.constant 0 : i32
          %broadcast_in_dim3A_353 = vector.broadcast %jit3A_351 : i32 to vector<16xi32>
          %broadcast_in_dim3A_354 = vector.broadcast %jit3A_352 : i32 to vector<16xi32>
          %select_n3A_355 = arith.select %gt3A_350, %broadcast_in_dim3A_353, %broadcast_in_dim3A_354 : vector<16xi1>, vector<16xi32>
          %or3A_356 = arith.ori %or3A_304, %select_n3A_355 : vector<16xi32>
          %gt3A_357 = arith.cmpf ogt, %mul3A_238, %gather3A_336 : vector<16xf32>
          %jit3A_358 = arith.constant 2 : i32
          %jit3A_359 = arith.constant 0 : i32
          %broadcast_in_dim3A_360 = vector.broadcast %jit3A_358 : i32 to vector<16xi32>
          %broadcast_in_dim3A_361 = vector.broadcast %jit3A_359 : i32 to vector<16xi32>
          %select_n3A_362 = arith.select %gt3A_357, %broadcast_in_dim3A_360, %broadcast_in_dim3A_361 : vector<16xi1>, vector<16xi32>
          %or3A_363 = arith.ori %or3A_311, %select_n3A_362 : vector<16xi32>
          %gt3A_364 = arith.cmpf ogt, %mul3A_245, %gather3A_342 : vector<16xf32>
          %jit3A_365 = arith.constant 2 : i32
          %jit3A_366 = arith.constant 0 : i32
          %broadcast_in_dim3A_367 = vector.broadcast %jit3A_365 : i32 to vector<16xi32>
          %broadcast_in_dim3A_368 = vector.broadcast %jit3A_366 : i32 to vector<16xi32>
          %select_n3A_369 = arith.select %gt3A_364, %broadcast_in_dim3A_367, %broadcast_in_dim3A_368 : vector<16xi1>, vector<16xi32>
          %or3A_370 = arith.ori %or3A_318, %select_n3A_369 : vector<16xi32>
          %or3A_371 = arith.constant 0 : i32
          %or3A_372 = vector.broadcast %or3A_371 : i32 to vector<16xi32>
          %or3A_373 = arith.ori %or3A_349, %or3A_372 : vector<16xi32>
          %broadcast_in_dim3A_374 = vector.shape_cast %or3A_373 : vector<16xi32> to vector<16x1xi32>
          %gather3A_375 = vector.shape_cast %broadcast_in_dim3A_374 : vector<16x1xi32> to vector<16xi32>
          %gather3A_376 = tpu.dynamic_gather %mul3A_20[%gather3A_375] in [0] : vector<16xf32>, vector<16xi32> -> vector<16xf32>
          %or3A_377 = arith.constant 0 : i32
          %or3A_378 = vector.broadcast %or3A_377 : i32 to vector<16xi32>
          %or3A_379 = arith.ori %or3A_356, %or3A_378 : vector<16xi32>
          %broadcast_in_dim3A_380 = vector.shape_cast %or3A_379 : vector<16xi32> to vector<16x1xi32>
          %gather3A_381 = vector.shape_cast %broadcast_in_dim3A_380 : vector<16x1xi32> to vector<16xi32>
          %gather3A_382 = tpu.dynamic_gather %mul3A_20[%gather3A_381] in [0] : vector<16xf32>, vector<16xi32> -> vector<16xf32>
          %or3A_383 = arith.constant 0 : i32
          %or3A_384 = vector.broadcast %or3A_383 : i32 to vector<16xi32>
          %or3A_385 = arith.ori %or3A_363, %or3A_384 : vector<16xi32>
          %broadcast_in_dim3A_386 = vector.shape_cast %or3A_385 : vector<16xi32> to vector<16x1xi32>
          %gather3A_387 = vector.shape_cast %broadcast_in_dim3A_386 : vector<16x1xi32> to vector<16xi32>
          %gather3A_388 = tpu.dynamic_gather %mul3A_20[%gather3A_387] in [0] : vector<16xf32>, vector<16xi32> -> vector<16xf32>
          %or3A_389 = arith.constant 0 : i32
          %or3A_390 = vector.broadcast %or3A_389 : i32 to vector<16xi32>
          %or3A_391 = arith.ori %or3A_370, %or3A_390 : vector<16xi32>
          %broadcast_in_dim3A_392 = vector.shape_cast %or3A_391 : vector<16xi32> to vector<16x1xi32>
          %gather3A_393 = vector.shape_cast %broadcast_in_dim3A_392 : vector<16x1xi32> to vector<16xi32>
          %gather3A_394 = tpu.dynamic_gather %mul3A_20[%gather3A_393] in [0] : vector<16xf32>, vector<16xi32> -> vector<16xf32>
          %gt3A_395 = arith.cmpf ogt, %mul3A_224, %gather3A_376 : vector<16xf32>
          %jit3A_396 = arith.constant 1 : i32
          %jit3A_397 = arith.constant 0 : i32
          %broadcast_in_dim3A_398 = vector.broadcast %jit3A_396 : i32 to vector<16xi32>
          %broadcast_in_dim3A_399 = vector.broadcast %jit3A_397 : i32 to vector<16xi32>
          %select_n3A_400 = arith.select %gt3A_395, %broadcast_in_dim3A_398, %broadcast_in_dim3A_399 : vector<16xi1>, vector<16xi32>
          %or3A_401 = arith.ori %or3A_349, %select_n3A_400 : vector<16xi32>
          %gt3A_402 = arith.cmpf ogt, %mul3A_231, %gather3A_382 : vector<16xf32>
          %jit3A_403 = arith.constant 1 : i32
          %jit3A_404 = arith.constant 0 : i32
          %broadcast_in_dim3A_405 = vector.broadcast %jit3A_403 : i32 to vector<16xi32>
          %broadcast_in_dim3A_406 = vector.broadcast %jit3A_404 : i32 to vector<16xi32>
          %select_n3A_407 = arith.select %gt3A_402, %broadcast_in_dim3A_405, %broadcast_in_dim3A_406 : vector<16xi1>, vector<16xi32>
          %or3A_408 = arith.ori %or3A_356, %select_n3A_407 : vector<16xi32>
          %gt3A_409 = arith.cmpf ogt, %mul3A_238, %gather3A_388 : vector<16xf32>
          %jit3A_410 = arith.constant 1 : i32
          %jit3A_411 = arith.constant 0 : i32
          %broadcast_in_dim3A_412 = vector.broadcast %jit3A_410 : i32 to vector<16xi32>
          %broadcast_in_dim3A_413 = vector.broadcast %jit3A_411 : i32 to vector<16xi32>
          %select_n3A_414 = arith.select %gt3A_409, %broadcast_in_dim3A_412, %broadcast_in_dim3A_413 : vector<16xi1>, vector<16xi32>
          %or3A_415 = arith.ori %or3A_363, %select_n3A_414 : vector<16xi32>
          %gt3A_416 = arith.cmpf ogt, %mul3A_245, %gather3A_394 : vector<16xf32>
          %jit3A_417 = arith.constant 1 : i32
          %jit3A_418 = arith.constant 0 : i32
          %broadcast_in_dim3A_419 = vector.broadcast %jit3A_417 : i32 to vector<16xi32>
          %broadcast_in_dim3A_420 = vector.broadcast %jit3A_418 : i32 to vector<16xi32>
          %select_n3A_421 = arith.select %gt3A_416, %broadcast_in_dim3A_419, %broadcast_in_dim3A_420 : vector<16xi1>, vector<16xi32>
          %or3A_422 = arith.ori %or3A_370, %select_n3A_421 : vector<16xi32>
          %broadcast_in_dim3A_423 = vector.shape_cast %or3A_401 : vector<16xi32> to vector<16x1xi32>
          %gather3A_424 = vector.shape_cast %broadcast_in_dim3A_423 : vector<16x1xi32> to vector<16xi32>
          %gather3A_425 = tpu.dynamic_gather %get3A_10[%gather3A_424] in [0] : vector<16xf32>, vector<16xi32> -> vector<16xf32>
          %broadcast_in_dim3A_426 = vector.shape_cast %or3A_408 : vector<16xi32> to vector<16x1xi32>
          %gather3A_427 = vector.shape_cast %broadcast_in_dim3A_426 : vector<16x1xi32> to vector<16xi32>
          %gather3A_428 = tpu.dynamic_gather %get3A_10[%gather3A_427] in [0] : vector<16xf32>, vector<16xi32> -> vector<16xf32>
          %broadcast_in_dim3A_429 = vector.shape_cast %or3A_415 : vector<16xi32> to vector<16x1xi32>
          %gather3A_430 = vector.shape_cast %broadcast_in_dim3A_429 : vector<16x1xi32> to vector<16xi32>
          %gather3A_431 = tpu.dynamic_gather %get3A_10[%gather3A_430] in [0] : vector<16xf32>, vector<16xi32> -> vector<16xf32>
          %broadcast_in_dim3A_432 = vector.shape_cast %or3A_422 : vector<16xi32> to vector<16x1xi32>
          %gather3A_433 = vector.shape_cast %broadcast_in_dim3A_432 : vector<16x1xi32> to vector<16xi32>
          %gather3A_434 = tpu.dynamic_gather %get3A_10[%gather3A_433] in [0] : vector<16xf32>, vector<16xi32> -> vector<16xf32>
          %mul3A_435 = arith.mulf %select_n3A, %gather3A_425 : vector<16xf32>
          %broadcast_in_dim3A_436 = vector.shape_cast %xor3A_4 : vector<16xi32> to vector<16x1xi32>
          %gather3A_437 = vector.shape_cast %broadcast_in_dim3A_436 : vector<16x1xi32> to vector<16xi32>
          %gather3A_438 = tpu.dynamic_gather %gather3A_425[%gather3A_437] in [0] : vector<16xf32>, vector<16xi32> -> vector<16xf32>
          %mul3A_439 = arith.mulf %select_n3A_205, %gather3A_438 : vector<16xf32>
          %add3A_440 = arith.addf %mul3A_435, %mul3A_439 : vector<16xf32>
          %mul3A_441 = arith.mulf %add3A_440, %max3A_131 : vector<16xf32>
          %mul3A_442 = arith.mulf %select_n3A_200, %gather3A_428 : vector<16xf32>
          %broadcast_in_dim3A_443 = vector.shape_cast %xor3A_4 : vector<16xi32> to vector<16x1xi32>
          %gather3A_444 = vector.shape_cast %broadcast_in_dim3A_443 : vector<16x1xi32> to vector<16xi32>
          %gather3A_445 = tpu.dynamic_gather %gather3A_428[%gather3A_444] in [0] : vector<16xf32>, vector<16xi32> -> vector<16xf32>
          %mul3A_446 = arith.mulf %select_n3A_209, %gather3A_445 : vector<16xf32>
          %add3A_447 = arith.addf %mul3A_442, %mul3A_446 : vector<16xf32>
          %mul3A_448 = arith.mulf %add3A_447, %max3A_131 : vector<16xf32>
          %mul3A_449 = arith.mulf %select_n3A_201, %gather3A_431 : vector<16xf32>
          %broadcast_in_dim3A_450 = vector.shape_cast %xor3A_4 : vector<16xi32> to vector<16x1xi32>
          %gather3A_451 = vector.shape_cast %broadcast_in_dim3A_450 : vector<16x1xi32> to vector<16xi32>
          %gather3A_452 = tpu.dynamic_gather %gather3A_431[%gather3A_451] in [0] : vector<16xf32>, vector<16xi32> -> vector<16xf32>
          %mul3A_453 = arith.mulf %select_n3A_213, %gather3A_452 : vector<16xf32>
          %add3A_454 = arith.addf %mul3A_449, %mul3A_453 : vector<16xf32>
          %mul3A_455 = arith.mulf %add3A_454, %max3A_131 : vector<16xf32>
          %mul3A_456 = arith.mulf %select_n3A_202, %gather3A_434 : vector<16xf32>
          %broadcast_in_dim3A_457 = vector.shape_cast %xor3A_4 : vector<16xi32> to vector<16x1xi32>
          %gather3A_458 = vector.shape_cast %broadcast_in_dim3A_457 : vector<16x1xi32> to vector<16xi32>
          %gather3A_459 = tpu.dynamic_gather %gather3A_434[%gather3A_458] in [0] : vector<16xf32>, vector<16xi32> -> vector<16xf32>
          %mul3A_460 = arith.mulf %select_n3A_217, %gather3A_459 : vector<16xf32>
          %add3A_461 = arith.addf %mul3A_456, %mul3A_460 : vector<16xf32>
          %mul3A_462 = arith.mulf %add3A_461, %max3A_131 : vector<16xf32>
          %swap3A = arith.index_cast %scan3A_47 : i32 to index
          %swap3A_463 = arith.index_cast %add3A_147 : i32 to index
          %swap3A_464 = tpu.vector_load %arg7[%swap3A, %swap3A_463] {strides = array<i32>} : memref<32x256xf32, #tpu.memory_space<vmem>>, vector<1x16xf32>,
          %swap3A_465 = vector.shape_cast %swap3A_464 : vector<1x16xf32> to vector<16xf32>
          %swap3A_466 = vector.shape_cast %mul3A_441 : vector<16xf32> to vector<1x16xf32>
          tpu.vector_store %arg7[%swap3A, %swap3A_463], %swap3A_466 {strides = array<i32>} : memref<32x256xf32, #tpu.memory_space<vmem>>, vector<1x16xf32>,
          %swap3A_467 = arith.index_cast %scan3A_47 : i32 to index
          %swap3A_468 = arith.index_cast %add3A_151 : i32 to index
          %swap3A_469 = tpu.vector_load %arg7[%swap3A_467, %swap3A_468] {strides = array<i32>} : memref<32x256xf32, #tpu.memory_space<vmem>>, vector<1x16xf32>,
          %swap3A_470 = vector.shape_cast %swap3A_469 : vector<1x16xf32> to vector<16xf32>
          %swap3A_471 = vector.shape_cast %mul3A_448 : vector<16xf32> to vector<1x16xf32>
          tpu.vector_store %arg7[%swap3A_467, %swap3A_468], %swap3A_471 {strides = array<i32>} : memref<32x256xf32, #tpu.memory_space<vmem>>, vector<1x16xf32>,
          %swap3A_472 = arith.index_cast %scan3A_47 : i32 to index
          %swap3A_473 = arith.index_cast %add3A_155 : i32 to index
          %swap3A_474 = tpu.vector_load %arg7[%swap3A_472, %swap3A_473] {strides = array<i32>} : memref<32x256xf32, #tpu.memory_space<vmem>>, vector<1x16xf32>,
          %swap3A_475 = vector.shape_cast %swap3A_474 : vector<1x16xf32> to vector<16xf32>
          %swap3A_476 = vector.shape_cast %mul3A_455 : vector<16xf32> to vector<1x16xf32>
          tpu.vector_store %arg7[%swap3A_472, %swap3A_473], %swap3A_476 {strides = array<i32>} : memref<32x256xf32, #tpu.memory_space<vmem>>, vector<1x16xf32>,
          %swap3A_477 = arith.index_cast %scan3A_47 : i32 to index
          %swap3A_478 = arith.index_cast %add3A_159 : i32 to index
          %swap3A_479 = tpu.vector_load %arg7[%swap3A_477, %swap3A_478] {strides = array<i32>} : memref<32x256xf32, #tpu.memory_space<vmem>>, vector<1x16xf32>,
          %swap3A_480 = vector.shape_cast %swap3A_479 : vector<1x16xf32> to vector<16xf32>
          %swap3A_481 = vector.shape_cast %mul3A_462 : vector<16xf32> to vector<1x16xf32>
          tpu.vector_store %arg7[%swap3A_477, %swap3A_478], %swap3A_481 {strides = array<i32>} : memref<32x256xf32, #tpu.memory_space<vmem>>, vector<1x16xf32>,
          %scan3A_482 = arith.constant 0 : i32
          scf.yield %scan3A_482 : i32
        }
        %scan3A_140 = arith.constant 4 : i32
        %scan3A_141 = arith.constant 0 : i32
        scf.yield %scan3A_141 : i32
      }
      %scan3A_45 = arith.constant 32 : i32
      "tpu.region"() ({
        %run_scoped3A = tpu.sem_alloc : memref<!tpu.dma_semaphore, #tpu.memory_space<semaphore_mem>>
        %dma_start3A = arith.constant 0 : i32
        %dma_start3A_47 = tpu.memref_slice %arg5[%add3A_36, %dma_start3A] : memref<2048x256xf32, #tpu.memory_space<hbm>> -> memref<32x256xf32, #tpu.memory_space<hbm>>
        %dma_start3A_48 = arith.constant 0 : i32
        %dma_start3A_49 = tpu.memref_slice %arg5[%add3A_36, %dma_start3A_48] : memref<2048x256xf32, #tpu.memory_space<hbm>> -> memref<32x256xf32, #tpu.memory_space<hbm>>
        tpu.enqueue_dma source(%arg7 : memref<32x256xf32, #tpu.memory_space<vmem>>) target(%dma_start3A_49 : memref<32x256xf32, #tpu.memory_space<hbm>>) target_semaphore(%run_scoped3A : memref<!tpu.dma_semaphore, #tpu.memory_space<semaphore_mem>>)
        %dma_wait3A = arith.constant 0 : i32
        %dma_wait3A_50 = tpu.memref_slice %arg5[%add3A_36, %dma_wait3A] : memref<2048x256xf32, #tpu.memory_space<hbm>> -> memref<32x256xf32, #tpu.memory_space<hbm>>
        %dma_wait3A_51 = arith.constant 0 : i32
        %dma_wait3A_52 = tpu.memref_slice %arg5[%add3A_36, %dma_wait3A_51] : memref<2048x256xf32, #tpu.memory_space<hbm>> -> memref<32x256xf32, #tpu.memory_space<hbm>>
        tpu.wait_dma2 semaphore(%run_scoped3A : memref<!tpu.dma_semaphore, #tpu.memory_space<semaphore_mem>>) src(%arg7 : memref<32x256xf32, #tpu.memory_space<vmem>>) dst(%dma_wait3A_52 : memref<32x256xf32, #tpu.memory_space<hbm>>)
        tpu.yield
      }) : () -> ()
      %scan3A_46 = arith.constant 0 : i32
      scf.yield %scan3A_46 : i32
    }
    %scan3A_31 = arith.constant 2 : i32
    return
  }
}

module attributes {stable_mosaic.version = 14 : i64} {
  func.func @_tc_body(%arg0: i32, %arg1: memref<16xf32, #tpu.memory_space<smem>>, %arg2: memref<1024x256xf32, #tpu.memory_space<vmem>>, %arg3: memref<1x256xf32, #tpu.memory_space<vmem>>, %arg4: memref<1024x256xf32, #tpu.memory_space<vmem>>) attributes {dimension_semantics = [#tpu.dimension_semantics<arbitrary>], iteration_bounds = array<i64: 7>, scalar_prefetch = 0 : i64, scratch_operands = 0 : i64, tpu.core_type = #tpu.core_type<tc>, window_params = [{transform_indices = @transform_0, window_bounds = array<i64: 16>}, {transform_indices = @transform_1, window_bounds = array<i64: 1024, 256>}, {pipeline_mode = #tpu.pipeline_mode<synchronous>, transform_indices = @transform_2, window_bounds = array<i64: 1, 256>}, {transform_indices = @transform_3, window_bounds = array<i64: 1024, 256>}]} {
    %get3A = arith.constant 0 : index
    %get3A_0 = arith.constant 0 : index
    %get3A_1 = vector.load %arg2[%get3A, %get3A_0] : memref<1024x256xf32, #tpu.memory_space<vmem>>, vector<1024x256xf32>
    %mul3A = arith.mulf %get3A_1, %get3A_1 : vector<1024x256xf32>
    %reduce_sum3A = arith.constant dense<0.000000e+00> : vector<1024xf32>
    %reduce_sum3A_2 = vector.multi_reduction <add>, %mul3A, %reduce_sum3A [1] : vector<1024x256xf32> to vector<1024xf32>
    %broadcast_in_dim3A = vector.shape_cast %reduce_sum3A_2 : vector<1024xf32> to vector<1024x1xf32>
    %sqrt3A = math.sqrt %broadcast_in_dim3A : vector<1024x1xf32>
    %max3A = arith.constant 9.99999993E-9 : f32
    %max3A_3 = vector.broadcast %max3A : f32 to vector<1024x1xf32>
    %max3A_4 = arith.maximumf %sqrt3A, %max3A_3 : vector<1024x1xf32>
    %div3A = arith.constant 1.000000e+00 : f32
    %div3A_5 = vector.broadcast %div3A : f32 to vector<1024x1xf32>
    %div3A_6 = arith.divf %div3A_5, %max3A_4 : vector<1024x1xf32>
    %iota3A = tpu.iota {dimensions = array<i32: 1>} : vector<1x256xi32>
    %jit3A = arith.constant 2 : i32
    %eq3A = arith.constant 0 : i32
    %eq3A_7 = arith.cmpi eq, %jit3A, %eq3A : i32
    %jit3A_8 = arith.constant 1 : i32
    %select_n3A = arith.select %eq3A_7, %jit3A_8, %jit3A : i32
    %rem3A = vector.broadcast %select_n3A : i32 to vector<1x256xi32>
    %rem3A_9 = arith.remsi %iota3A, %rem3A : vector<1x256xi32>
    %ne3A = arith.constant 0 : i32
    %ne3A_10 = vector.broadcast %ne3A : i32 to vector<1x256xi32>
    %ne3A_11 = arith.cmpi ne, %rem3A_9, %ne3A_10 : vector<1x256xi32>
    %lt3A = arith.constant 0 : i32
    %lt3A_12 = vector.broadcast %lt3A : i32 to vector<1x256xi32>
    %lt3A_13 = arith.cmpi slt, %rem3A_9, %lt3A_12 : vector<1x256xi32>
    %lt3A_14 = arith.constant 0 : i32
    %lt3A_15 = arith.cmpi slt, %select_n3A, %lt3A_14 : i32
    %ne3A_16 = vector.broadcast %lt3A_15 : i1 to vector<1x256xi1>
    %ne3A_17 = vector.broadcast %ne3A_16 : vector<1x256xi1> to vector<1x256xi1>
    %ne3A_18 = arith.xori %lt3A_13, %ne3A_17 : vector<1x256xi1>
    %and3A = arith.andi %ne3A_18, %ne3A_11 : vector<1x256xi1>
    %add3A = vector.broadcast %select_n3A : i32 to vector<1x256xi32>
    %add3A_19 = arith.addi %rem3A_9, %add3A : vector<1x256xi32>
    %select_n3A_20 = arith.select %and3A, %add3A_19, %rem3A_9 : vector<1x256xi1>, vector<1x256xi32>
    %eq3A_21 = arith.constant 0 : i32
    %eq3A_22 = vector.broadcast %eq3A_21 : i32 to vector<1x256xi32>
    %eq3A_23 = arith.cmpi eq, %select_n3A_20, %eq3A_22 : vector<1x256xi32>
    %get3A_24 = arith.constant 0 : index
    %get3A_25 = arith.constant 0 : index
    %get3A_26 = vector.load %arg3[%get3A_24, %get3A_25] : memref<1x256xf32, #tpu.memory_space<vmem>>, vector<1x256xf32>
    %slice3A = vector.extract_strided_slice %get3A_26 {offsets = [0, 1], sizes = [1, 255], strides = [1, 1]} : vector<1x256xf32> to vector<1x255xf32>
    %slice3A_27 = vector.extract_strided_slice %get3A_26 {offsets = [0, 0], sizes = [1, 1], strides = [1, 1]} : vector<1x256xf32> to vector<1x1xf32>
    %concatenate3A = tpu.concatenate %slice3A, %slice3A_27 in 1 : vector<1x255xf32>, vector<1x1xf32> -> vector<1x256xf32>
    %slice3A_28 = vector.extract_strided_slice %get3A_26 {offsets = [0, 255], sizes = [1, 1], strides = [1, 1]} : vector<1x256xf32> to vector<1x1xf32>
    %slice3A_29 = vector.extract_strided_slice %get3A_26 {offsets = [0, 0], sizes = [1, 255], strides = [1, 1]} : vector<1x256xf32> to vector<1x255xf32>
    %concatenate3A_30 = tpu.concatenate %slice3A_28, %slice3A_29 in 1 : vector<1x1xf32>, vector<1x255xf32> -> vector<1x256xf32>
    %select_n3A_31 = arith.select %eq3A_23, %concatenate3A, %concatenate3A_30 : vector<1x256xi1>, vector<1x256xf32>
    %select_n3A_32 = arith.select %eq3A_23, %get3A_26, %select_n3A_31 : vector<1x256xi1>, vector<1x256xf32>
    %neg3A = arith.constant 0.000000e+00 : f32
    %neg3A_33 = vector.broadcast %neg3A : f32 to vector<1x256xf32>
    %neg3A_34 = arith.subf %neg3A_33, %select_n3A_31 : vector<1x256xf32>
    %select_n3A_35 = arith.select %eq3A_23, %neg3A_34, %get3A_26 : vector<1x256xi1>, vector<1x256xf32>
    %slice3A_36 = vector.extract_strided_slice %get3A_1 {offsets = [0, 1], sizes = [1024, 255], strides = [1, 1]} : vector<1024x256xf32> to vector<1024x255xf32>
    %slice3A_37 = vector.extract_strided_slice %get3A_1 {offsets = [0, 0], sizes = [1024, 1], strides = [1, 1]} : vector<1024x256xf32> to vector<1024x1xf32>
    %concatenate3A_38 = tpu.concatenate %slice3A_36, %slice3A_37 in 1 : vector<1024x255xf32>, vector<1024x1xf32> -> vector<1024x256xf32>
    %slice3A_39 = vector.extract_strided_slice %get3A_1 {offsets = [0, 255], sizes = [1024, 1], strides = [1, 1]} : vector<1024x256xf32> to vector<1024x1xf32>
    %slice3A_40 = vector.extract_strided_slice %get3A_1 {offsets = [0, 0], sizes = [1024, 255], strides = [1, 1]} : vector<1024x256xf32> to vector<1024x255xf32>
    %concatenate3A_41 = tpu.concatenate %slice3A_39, %slice3A_40 in 1 : vector<1024x1xf32>, vector<1024x255xf32> -> vector<1024x256xf32>
    %broadcast_in_dim3A_42 = vector.shape_cast %eq3A_23 : vector<1x256xi1> to vector<1x256xi1>
    %broadcast_in_dim3A_43 = vector.broadcast %broadcast_in_dim3A_42 : vector<1x256xi1> to vector<1024x256xi1>
    %select_n3A_44 = arith.select %broadcast_in_dim3A_43, %concatenate3A_38, %concatenate3A_41 : vector<1024x256xi1>, vector<1024x256xf32>
    %mul3A_45 = vector.broadcast %select_n3A_32 : vector<1x256xf32> to vector<1024x256xf32>
    %mul3A_46 = arith.mulf %mul3A_45, %get3A_1 : vector<1024x256xf32>
    %mul3A_47 = vector.broadcast %select_n3A_35 : vector<1x256xf32> to vector<1024x256xf32>
    %mul3A_48 = arith.mulf %mul3A_47, %select_n3A_44 : vector<1024x256xf32>
    %add3A_49 = arith.addf %mul3A_46, %mul3A_48 : vector<1024x256xf32>
    %mul3A_50 = vector.broadcast %div3A_6 : vector<1024x1xf32> to vector<1024x256xf32>
    %mul3A_51 = arith.mulf %add3A_49, %mul3A_50 : vector<1024x256xf32>
    %get3A_52 = arith.constant 7 : index
    %get3A_53 = memref.load %arg1[%get3A_52] : memref<16xf32, #tpu.memory_space<smem>>
    %get3A_54 = arith.constant 8 : index
    %get3A_55 = memref.load %arg1[%get3A_54] : memref<16xf32, #tpu.memory_space<smem>>
    %add3A_56 = arith.addf %get3A_53, %get3A_55 : f32
    %mul3A_57 = arith.constant 5.000000e-01 : f32
    %mul3A_58 = arith.mulf %mul3A_57, %add3A_56 : f32
    %gt3A = vector.broadcast %mul3A_58 : f32 to vector<1024x256xf32>
    %gt3A_59 = arith.cmpf ogt, %mul3A_51, %gt3A : vector<1024x256xf32>
    %get3A_60 = arith.constant 11 : index
    %get3A_61 = memref.load %arg1[%get3A_60] : memref<16xf32, #tpu.memory_space<smem>>
    %get3A_62 = arith.constant 12 : index
    %get3A_63 = memref.load %arg1[%get3A_62] : memref<16xf32, #tpu.memory_space<smem>>
    %add3A_64 = arith.addf %get3A_61, %get3A_63 : f32
    %mul3A_65 = arith.constant 5.000000e-01 : f32
    %mul3A_66 = arith.mulf %mul3A_65, %add3A_64 : f32
    %get3A_67 = arith.constant 3 : index
    %get3A_68 = memref.load %arg1[%get3A_67] : memref<16xf32, #tpu.memory_space<smem>>
    %get3A_69 = arith.constant 4 : index
    %get3A_70 = memref.load %arg1[%get3A_69] : memref<16xf32, #tpu.memory_space<smem>>
    %add3A_71 = arith.addf %get3A_68, %get3A_70 : f32
    %mul3A_72 = arith.constant 5.000000e-01 : f32
    %mul3A_73 = arith.mulf %mul3A_72, %add3A_71 : f32
    %broadcast_in_dim3A_74 = vector.broadcast %mul3A_66 : f32 to vector<1024x256xf32>
    %broadcast_in_dim3A_75 = vector.broadcast %mul3A_73 : f32 to vector<1024x256xf32>
    %select_n3A_76 = arith.select %gt3A_59, %broadcast_in_dim3A_74, %broadcast_in_dim3A_75 : vector<1024x256xi1>, vector<1024x256xf32>
    %gt3A_77 = arith.cmpf ogt, %mul3A_51, %select_n3A_76 : vector<1024x256xf32>
    %get3A_78 = arith.constant 13 : index
    %get3A_79 = memref.load %arg1[%get3A_78] : memref<16xf32, #tpu.memory_space<smem>>
    %get3A_80 = arith.constant 14 : index
    %get3A_81 = memref.load %arg1[%get3A_80] : memref<16xf32, #tpu.memory_space<smem>>
    %add3A_82 = arith.addf %get3A_79, %get3A_81 : f32
    %mul3A_83 = arith.constant 5.000000e-01 : f32
    %mul3A_84 = arith.mulf %mul3A_83, %add3A_82 : f32
    %get3A_85 = arith.constant 9 : index
    %get3A_86 = memref.load %arg1[%get3A_85] : memref<16xf32, #tpu.memory_space<smem>>
    %get3A_87 = arith.constant 10 : index
    %get3A_88 = memref.load %arg1[%get3A_87] : memref<16xf32, #tpu.memory_space<smem>>
    %add3A_89 = arith.addf %get3A_86, %get3A_88 : f32
    %mul3A_90 = arith.constant 5.000000e-01 : f32
    %mul3A_91 = arith.mulf %mul3A_90, %add3A_89 : f32
    %broadcast_in_dim3A_92 = vector.broadcast %mul3A_84 : f32 to vector<1024x256xf32>
    %broadcast_in_dim3A_93 = vector.broadcast %mul3A_91 : f32 to vector<1024x256xf32>
    %select_n3A_94 = arith.select %gt3A_77, %broadcast_in_dim3A_92, %broadcast_in_dim3A_93 : vector<1024x256xi1>, vector<1024x256xf32>
    %get3A_95 = arith.constant 5 : index
    %get3A_96 = memref.load %arg1[%get3A_95] : memref<16xf32, #tpu.memory_space<smem>>
    %get3A_97 = arith.constant 6 : index
    %get3A_98 = memref.load %arg1[%get3A_97] : memref<16xf32, #tpu.memory_space<smem>>
    %add3A_99 = arith.addf %get3A_96, %get3A_98 : f32
    %mul3A_100 = arith.constant 5.000000e-01 : f32
    %mul3A_101 = arith.mulf %mul3A_100, %add3A_99 : f32
    %get3A_102 = arith.constant 1 : index
    %get3A_103 = memref.load %arg1[%get3A_102] : memref<16xf32, #tpu.memory_space<smem>>
    %get3A_104 = arith.constant 2 : index
    %get3A_105 = memref.load %arg1[%get3A_104] : memref<16xf32, #tpu.memory_space<smem>>
    %add3A_106 = arith.addf %get3A_103, %get3A_105 : f32
    %mul3A_107 = arith.constant 5.000000e-01 : f32
    %mul3A_108 = arith.mulf %mul3A_107, %add3A_106 : f32
    %broadcast_in_dim3A_109 = vector.broadcast %mul3A_101 : f32 to vector<1024x256xf32>
    %broadcast_in_dim3A_110 = vector.broadcast %mul3A_108 : f32 to vector<1024x256xf32>
    %select_n3A_111 = arith.select %gt3A_77, %broadcast_in_dim3A_109, %broadcast_in_dim3A_110 : vector<1024x256xi1>, vector<1024x256xf32>
    %select_n3A_112 = arith.select %gt3A_59, %select_n3A_94, %select_n3A_111 : vector<1024x256xi1>, vector<1024x256xf32>
    %gt3A_113 = arith.cmpf ogt, %mul3A_51, %select_n3A_112 : vector<1024x256xf32>
    %get3A_114 = arith.constant 14 : index
    %get3A_115 = memref.load %arg1[%get3A_114] : memref<16xf32, #tpu.memory_space<smem>>
    %get3A_116 = arith.constant 15 : index
    %get3A_117 = memref.load %arg1[%get3A_116] : memref<16xf32, #tpu.memory_space<smem>>
    %add3A_118 = arith.addf %get3A_115, %get3A_117 : f32
    %mul3A_119 = arith.constant 5.000000e-01 : f32
    %mul3A_120 = arith.mulf %mul3A_119, %add3A_118 : f32
    %get3A_121 = arith.constant 12 : index
    %get3A_122 = memref.load %arg1[%get3A_121] : memref<16xf32, #tpu.memory_space<smem>>
    %get3A_123 = arith.constant 13 : index
    %get3A_124 = memref.load %arg1[%get3A_123] : memref<16xf32, #tpu.memory_space<smem>>
    %add3A_125 = arith.addf %get3A_122, %get3A_124 : f32
    %mul3A_126 = arith.constant 5.000000e-01 : f32
    %mul3A_127 = arith.mulf %mul3A_126, %add3A_125 : f32
    %broadcast_in_dim3A_128 = vector.broadcast %mul3A_120 : f32 to vector<1024x256xf32>
    %broadcast_in_dim3A_129 = vector.broadcast %mul3A_127 : f32 to vector<1024x256xf32>
    %select_n3A_130 = arith.select %gt3A_113, %broadcast_in_dim3A_128, %broadcast_in_dim3A_129 : vector<1024x256xi1>, vector<1024x256xf32>
    %get3A_131 = arith.constant 10 : index
    %get3A_132 = memref.load %arg1[%get3A_131] : memref<16xf32, #tpu.memory_space<smem>>
    %get3A_133 = arith.constant 11 : index
    %get3A_134 = memref.load %arg1[%get3A_133] : memref<16xf32, #tpu.memory_space<smem>>
    %add3A_135 = arith.addf %get3A_132, %get3A_134 : f32
    %mul3A_136 = arith.constant 5.000000e-01 : f32
    %mul3A_137 = arith.mulf %mul3A_136, %add3A_135 : f32
    %get3A_138 = arith.constant 8 : index
    %get3A_139 = memref.load %arg1[%get3A_138] : memref<16xf32, #tpu.memory_space<smem>>
    %get3A_140 = arith.constant 9 : index
    %get3A_141 = memref.load %arg1[%get3A_140] : memref<16xf32, #tpu.memory_space<smem>>
    %add3A_142 = arith.addf %get3A_139, %get3A_141 : f32
    %mul3A_143 = arith.constant 5.000000e-01 : f32
    %mul3A_144 = arith.mulf %mul3A_143, %add3A_142 : f32
    %broadcast_in_dim3A_145 = vector.broadcast %mul3A_137 : f32 to vector<1024x256xf32>
    %broadcast_in_dim3A_146 = vector.broadcast %mul3A_144 : f32 to vector<1024x256xf32>
    %select_n3A_147 = arith.select %gt3A_113, %broadcast_in_dim3A_145, %broadcast_in_dim3A_146 : vector<1024x256xi1>, vector<1024x256xf32>
    %select_n3A_148 = arith.select %gt3A_77, %select_n3A_130, %select_n3A_147 : vector<1024x256xi1>, vector<1024x256xf32>
    %get3A_149 = arith.constant 6 : index
    %get3A_150 = memref.load %arg1[%get3A_149] : memref<16xf32, #tpu.memory_space<smem>>
    %get3A_151 = arith.constant 7 : index
    %get3A_152 = memref.load %arg1[%get3A_151] : memref<16xf32, #tpu.memory_space<smem>>
    %add3A_153 = arith.addf %get3A_150, %get3A_152 : f32
    %mul3A_154 = arith.constant 5.000000e-01 : f32
    %mul3A_155 = arith.mulf %mul3A_154, %add3A_153 : f32
    %get3A_156 = arith.constant 4 : index
    %get3A_157 = memref.load %arg1[%get3A_156] : memref<16xf32, #tpu.memory_space<smem>>
    %get3A_158 = arith.constant 5 : index
    %get3A_159 = memref.load %arg1[%get3A_158] : memref<16xf32, #tpu.memory_space<smem>>
    %add3A_160 = arith.addf %get3A_157, %get3A_159 : f32
    %mul3A_161 = arith.constant 5.000000e-01 : f32
    %mul3A_162 = arith.mulf %mul3A_161, %add3A_160 : f32
    %broadcast_in_dim3A_163 = vector.broadcast %mul3A_155 : f32 to vector<1024x256xf32>
    %broadcast_in_dim3A_164 = vector.broadcast %mul3A_162 : f32 to vector<1024x256xf32>
    %select_n3A_165 = arith.select %gt3A_113, %broadcast_in_dim3A_163, %broadcast_in_dim3A_164 : vector<1024x256xi1>, vector<1024x256xf32>
    %get3A_166 = arith.constant 2 : index
    %get3A_167 = memref.load %arg1[%get3A_166] : memref<16xf32, #tpu.memory_space<smem>>
    %get3A_168 = arith.constant 3 : index
    %get3A_169 = memref.load %arg1[%get3A_168] : memref<16xf32, #tpu.memory_space<smem>>
    %add3A_170 = arith.addf %get3A_167, %get3A_169 : f32
    %mul3A_171 = arith.constant 5.000000e-01 : f32
    %mul3A_172 = arith.mulf %mul3A_171, %add3A_170 : f32
    %get3A_173 = arith.constant 0 : index
    %get3A_174 = memref.load %arg1[%get3A_173] : memref<16xf32, #tpu.memory_space<smem>>
    %get3A_175 = arith.constant 1 : index
    %get3A_176 = memref.load %arg1[%get3A_175] : memref<16xf32, #tpu.memory_space<smem>>
    %add3A_177 = arith.addf %get3A_174, %get3A_176 : f32
    %mul3A_178 = arith.constant 5.000000e-01 : f32
    %mul3A_179 = arith.mulf %mul3A_178, %add3A_177 : f32
    %broadcast_in_dim3A_180 = vector.broadcast %mul3A_172 : f32 to vector<1024x256xf32>
    %broadcast_in_dim3A_181 = vector.broadcast %mul3A_179 : f32 to vector<1024x256xf32>
    %select_n3A_182 = arith.select %gt3A_113, %broadcast_in_dim3A_180, %broadcast_in_dim3A_181 : vector<1024x256xi1>, vector<1024x256xf32>
    %select_n3A_183 = arith.select %gt3A_77, %select_n3A_165, %select_n3A_182 : vector<1024x256xi1>, vector<1024x256xf32>
    %select_n3A_184 = arith.select %gt3A_59, %select_n3A_148, %select_n3A_183 : vector<1024x256xi1>, vector<1024x256xf32>
    %gt3A_185 = arith.cmpf ogt, %mul3A_51, %select_n3A_184 : vector<1024x256xf32>
    %get3A_186 = arith.constant 15 : index
    %get3A_187 = memref.load %arg1[%get3A_186] : memref<16xf32, #tpu.memory_space<smem>>
    %get3A_188 = arith.constant 14 : index
    %get3A_189 = memref.load %arg1[%get3A_188] : memref<16xf32, #tpu.memory_space<smem>>
    %broadcast_in_dim3A_190 = vector.broadcast %get3A_187 : f32 to vector<1024x256xf32>
    %broadcast_in_dim3A_191 = vector.broadcast %get3A_189 : f32 to vector<1024x256xf32>
    %select_n3A_192 = arith.select %gt3A_185, %broadcast_in_dim3A_190, %broadcast_in_dim3A_191 : vector<1024x256xi1>, vector<1024x256xf32>
    %get3A_193 = arith.constant 13 : index
    %get3A_194 = memref.load %arg1[%get3A_193] : memref<16xf32, #tpu.memory_space<smem>>
    %get3A_195 = arith.constant 12 : index
    %get3A_196 = memref.load %arg1[%get3A_195] : memref<16xf32, #tpu.memory_space<smem>>
    %broadcast_in_dim3A_197 = vector.broadcast %get3A_194 : f32 to vector<1024x256xf32>
    %broadcast_in_dim3A_198 = vector.broadcast %get3A_196 : f32 to vector<1024x256xf32>
    %select_n3A_199 = arith.select %gt3A_185, %broadcast_in_dim3A_197, %broadcast_in_dim3A_198 : vector<1024x256xi1>, vector<1024x256xf32>
    %select_n3A_200 = arith.select %gt3A_113, %select_n3A_192, %select_n3A_199 : vector<1024x256xi1>, vector<1024x256xf32>
    %get3A_201 = arith.constant 11 : index
    %get3A_202 = memref.load %arg1[%get3A_201] : memref<16xf32, #tpu.memory_space<smem>>
    %get3A_203 = arith.constant 10 : index
    %get3A_204 = memref.load %arg1[%get3A_203] : memref<16xf32, #tpu.memory_space<smem>>
    %broadcast_in_dim3A_205 = vector.broadcast %get3A_202 : f32 to vector<1024x256xf32>
    %broadcast_in_dim3A_206 = vector.broadcast %get3A_204 : f32 to vector<1024x256xf32>
    %select_n3A_207 = arith.select %gt3A_185, %broadcast_in_dim3A_205, %broadcast_in_dim3A_206 : vector<1024x256xi1>, vector<1024x256xf32>
    %get3A_208 = arith.constant 9 : index
    %get3A_209 = memref.load %arg1[%get3A_208] : memref<16xf32, #tpu.memory_space<smem>>
    %get3A_210 = arith.constant 8 : index
    %get3A_211 = memref.load %arg1[%get3A_210] : memref<16xf32, #tpu.memory_space<smem>>
    %broadcast_in_dim3A_212 = vector.broadcast %get3A_209 : f32 to vector<1024x256xf32>
    %broadcast_in_dim3A_213 = vector.broadcast %get3A_211 : f32 to vector<1024x256xf32>
    %select_n3A_214 = arith.select %gt3A_185, %broadcast_in_dim3A_212, %broadcast_in_dim3A_213 : vector<1024x256xi1>, vector<1024x256xf32>
    %select_n3A_215 = arith.select %gt3A_113, %select_n3A_207, %select_n3A_214 : vector<1024x256xi1>, vector<1024x256xf32>
    %select_n3A_216 = arith.select %gt3A_77, %select_n3A_200, %select_n3A_215 : vector<1024x256xi1>, vector<1024x256xf32>
    %get3A_217 = arith.constant 7 : index
    %get3A_218 = memref.load %arg1[%get3A_217] : memref<16xf32, #tpu.memory_space<smem>>
    %get3A_219 = arith.constant 6 : index
    %get3A_220 = memref.load %arg1[%get3A_219] : memref<16xf32, #tpu.memory_space<smem>>
    %broadcast_in_dim3A_221 = vector.broadcast %get3A_218 : f32 to vector<1024x256xf32>
    %broadcast_in_dim3A_222 = vector.broadcast %get3A_220 : f32 to vector<1024x256xf32>
    %select_n3A_223 = arith.select %gt3A_185, %broadcast_in_dim3A_221, %broadcast_in_dim3A_222 : vector<1024x256xi1>, vector<1024x256xf32>
    %get3A_224 = arith.constant 5 : index
    %get3A_225 = memref.load %arg1[%get3A_224] : memref<16xf32, #tpu.memory_space<smem>>
    %get3A_226 = arith.constant 4 : index
    %get3A_227 = memref.load %arg1[%get3A_226] : memref<16xf32, #tpu.memory_space<smem>>
    %broadcast_in_dim3A_228 = vector.broadcast %get3A_225 : f32 to vector<1024x256xf32>
    %broadcast_in_dim3A_229 = vector.broadcast %get3A_227 : f32 to vector<1024x256xf32>
    %select_n3A_230 = arith.select %gt3A_185, %broadcast_in_dim3A_228, %broadcast_in_dim3A_229 : vector<1024x256xi1>, vector<1024x256xf32>
    %select_n3A_231 = arith.select %gt3A_113, %select_n3A_223, %select_n3A_230 : vector<1024x256xi1>, vector<1024x256xf32>
    %get3A_232 = arith.constant 3 : index
    %get3A_233 = memref.load %arg1[%get3A_232] : memref<16xf32, #tpu.memory_space<smem>>
    %get3A_234 = arith.constant 2 : index
    %get3A_235 = memref.load %arg1[%get3A_234] : memref<16xf32, #tpu.memory_space<smem>>
    %broadcast_in_dim3A_236 = vector.broadcast %get3A_233 : f32 to vector<1024x256xf32>
    %broadcast_in_dim3A_237 = vector.broadcast %get3A_235 : f32 to vector<1024x256xf32>
    %select_n3A_238 = arith.select %gt3A_185, %broadcast_in_dim3A_236, %broadcast_in_dim3A_237 : vector<1024x256xi1>, vector<1024x256xf32>
    %get3A_239 = arith.constant 1 : index
    %get3A_240 = memref.load %arg1[%get3A_239] : memref<16xf32, #tpu.memory_space<smem>>
    %get3A_241 = arith.constant 0 : index
    %get3A_242 = memref.load %arg1[%get3A_241] : memref<16xf32, #tpu.memory_space<smem>>
    %broadcast_in_dim3A_243 = vector.broadcast %get3A_240 : f32 to vector<1024x256xf32>
    %broadcast_in_dim3A_244 = vector.broadcast %get3A_242 : f32 to vector<1024x256xf32>
    %select_n3A_245 = arith.select %gt3A_185, %broadcast_in_dim3A_243, %broadcast_in_dim3A_244 : vector<1024x256xi1>, vector<1024x256xf32>
    %select_n3A_246 = arith.select %gt3A_113, %select_n3A_238, %select_n3A_245 : vector<1024x256xi1>, vector<1024x256xf32>
    %select_n3A_247 = arith.select %gt3A_77, %select_n3A_231, %select_n3A_246 : vector<1024x256xi1>, vector<1024x256xf32>
    %select_n3A_248 = arith.select %gt3A_59, %select_n3A_216, %select_n3A_247 : vector<1024x256xi1>, vector<1024x256xf32>
    %slice3A_249 = vector.extract_strided_slice %select_n3A_248 {offsets = [0, 1], sizes = [1024, 255], strides = [1, 1]} : vector<1024x256xf32> to vector<1024x255xf32>
    %slice3A_250 = vector.extract_strided_slice %select_n3A_248 {offsets = [0, 0], sizes = [1024, 1], strides = [1, 1]} : vector<1024x256xf32> to vector<1024x1xf32>
    %concatenate3A_251 = tpu.concatenate %slice3A_249, %slice3A_250 in 1 : vector<1024x255xf32>, vector<1024x1xf32> -> vector<1024x256xf32>
    %slice3A_252 = vector.extract_strided_slice %select_n3A_248 {offsets = [0, 255], sizes = [1024, 1], strides = [1, 1]} : vector<1024x256xf32> to vector<1024x1xf32>
    %slice3A_253 = vector.extract_strided_slice %select_n3A_248 {offsets = [0, 0], sizes = [1024, 255], strides = [1, 1]} : vector<1024x256xf32> to vector<1024x255xf32>
    %concatenate3A_254 = tpu.concatenate %slice3A_252, %slice3A_253 in 1 : vector<1024x1xf32>, vector<1024x255xf32> -> vector<1024x256xf32>
    %broadcast_in_dim3A_255 = vector.shape_cast %eq3A_23 : vector<1x256xi1> to vector<1x256xi1>
    %broadcast_in_dim3A_256 = vector.broadcast %broadcast_in_dim3A_255 : vector<1x256xi1> to vector<1024x256xi1>
    %select_n3A_257 = arith.select %broadcast_in_dim3A_256, %concatenate3A_251, %concatenate3A_254 : vector<1024x256xi1>, vector<1024x256xf32>
    %mul3A_258 = vector.broadcast %select_n3A_32 : vector<1x256xf32> to vector<1024x256xf32>
    %mul3A_259 = arith.mulf %mul3A_258, %select_n3A_248 : vector<1024x256xf32>
    %mul3A_260 = vector.broadcast %select_n3A_35 : vector<1x256xf32> to vector<1024x256xf32>
    %mul3A_261 = arith.mulf %mul3A_260, %select_n3A_257 : vector<1024x256xf32>
    %add3A_262 = arith.addf %mul3A_259, %mul3A_261 : vector<1024x256xf32>
    %mul3A_263 = vector.broadcast %max3A_4 : vector<1024x1xf32> to vector<1024x256xf32>
    %mul3A_264 = arith.mulf %add3A_262, %mul3A_263 : vector<1024x256xf32>
    %swap3A = arith.constant 0 : index
    %swap3A_265 = arith.constant 0 : index
    %swap3A_266 = vector.load %arg4[%swap3A, %swap3A_265] : memref<1024x256xf32, #tpu.memory_space<vmem>>, vector<1024x256xf32>
    tpu.vector_store %arg4[%swap3A, %swap3A_265], %mul3A_264 {strides = array<i32>} : memref<1024x256xf32, #tpu.memory_space<vmem>>, vector<1024x256xf32>,
    return
  }
  func.func @transform_0(%arg0: i32) -> i32 {
    %c0_i32 = arith.constant 0 : i32
    %c0_i32_0 = arith.constant 0 : i32
    return %c0_i32 : i32
  }
  func.func @transform_1(%arg0: i32) -> (i32, i32) {
    %c0_i32 = arith.constant 0 : i32
    %c0_i32_0 = arith.constant 0 : i32
    return %arg0, %c0_i32 : i32, i32
  }
  func.func @transform_2(%arg0: i32) -> (i32, i32) {
    %c0_i32 = arith.constant 0 : i32
    %c0_i32_0 = arith.constant 0 : i32
    %c0_i32_1 = arith.constant 0 : i32
    return %c0_i32, %c0_i32_0 : i32, i32
  }
  func.func @transform_3(%arg0: i32) -> (i32, i32) {
    %c0_i32 = arith.constant 0 : i32
    %c0_i32_0 = arith.constant 0 : i32
    return %arg0, %c0_i32 : i32, i32
  }
}

</mosaic_0001>

<sc_bundles>
// kernel: kernel.4.cloned.1.call-start
scs
__scs_entry_jumppad:
0x0: {  	(pc) =	sbr.rel $0x88, $3  }
0x1: {  	(tag) =	ssettag $0x0;
	lr =	simm.s32 $0x1  }
0x2: {  	[smem:$0x3F9E] =	sst lr;
	_ =	strace $0xD0000000  }
0x3: {  	_ = 	snop  }
0x4: {  	_ = 	snop  }
0x5: {  	_ = 	snop  }
0x6: {  	_ = 	snop  }
0x7: {  	_ = 	snop  }
__scs_overlays_trampoline_lowered:
0x8: {  	[smem:$0x3FAD] =	sst s0  }
0x9: {  	[smem:$0x3FAE] =	sst s1  }
0xa: {  	[smem:$0x3FAF] =	sst s2  }
0xb: {  	[smem:$0x3FB0] =	sst s3  }
0xc: {  	[smem:$0x3FB1] =	sst s4  }
0xd: {  	[smem:$0x3FB2] =	sst s5  }
0xe: {  	[smem:$0x3FB3] =	sst s6  }
0xf: {  	[smem:$0x3FB4] =	sst s7  }
0x10: {  	[smem:$0x3FB5] =	sst s8  }
0x11: {  	[smem:$0x3FB6] =	sst s9;
	s0 =	simm.s32 @!p0 $0x0  }
0x12: {  	s1 =	sld [smem:$0x3F9C];
	s0 =	simm.s32 @p0 $0x1  }
0x13: {  	[smem:$0x3FB7] =	sst s0;
	s0 =	simm.s32 @!p1 $0x0  }
0x14: {  	s2 =	sld [smem:$0x3F9B];
	s0 =	simm.s32 @p1 $0x1  }
0x15: {  	[smem:$0x3FB8] =	sst s0;
	s0 =	simm.s32 @!p2 $0x0  }
0x16: {  	s3 =	sld [smem:$0x3FDB];
	s0 =	simm.s32 @p2 $0x1  }
0x17: {  	s4 =	simm.s32 $0x1BF5;
	[smem:$0x3FBA] =	sst s0  }
0x18: {  	s0 =	sld [smem:$0x3F9D];
	_ =	swait.ge [sflag:s4], $0x0  }
0x19: {  	s7 =	sld [smem:$0x3F9E]  }
0x1a: {  	s8 =	sadd.s32 $0xFFFFE003, lr  }
0x1b: {  	s9 =	sadd.s32 $0xFFFFFEF7, lr;
	s5 =	simm.s32 $0xFFFFFFFF;
	p2 =	slt.u32 s8, $0xFFFFF086  }
0x1c: {  	p1 =	slt.u32 s9, $0xF7A;
	s5 =	simm.s32 @!p2 $0x0  }
0x1d: {  	s5 =	simm.s32 @p1 $0x1;
	p0 =	seq.s32 s7, s2  }
0x1e: {  	s7 =	smul.u32 @!p0 $0xF7A, s2;
	p2 =	seq.s32 @!p0 s5, $0x0  }
0x1f: {  	s9 =	smul.u32 $0xF7A, s1;
	s8 =	simm.s32 @!p0 $0x1BF5;
	p2 =	por !p2, p0  }
0x20: {  	[sflag:s8] =	ssyncset.s32 @!p0 $0xFFFFF086;
	s6 =	sadd.s32 @!p0 s3, s7;
	s7 =	simm.s32 @!p0 $0x108  }
0x21: {  	s3 =	sadd.s32 s3, s9;
	s6 =	sadd.s32 @!p0 $0x88, s6;
	s7 =	simm.s32 @p2 $0x1082  }
0x22: {  	[simem:s7], [sflag:s8] =	dma.local @!p0 [hbm:s6], $0xF7A  }
0x23: {  	s9 =	sor.u32 $0xD0000000, s2;
	s6 =	simm.s32 $0x108;
	_ =	swait.ge @!p0 [sflag:s8], $0x0  }
0x24: {  	s3 =	sadd.s32 $0x88, s3;
	s6 =	simm.s32 @!p1 $0x1082;
	[sflag:s4] =	ssyncset.s32 $0xFFFFF086  }
0x25: {  	[simem:s6], [sflag:s4] =	dma.local [hbm:s3], $0xF7A  }
0x26: {  	[smem:$0x3F9E] =	sst s1;
	(tag) =	ssettag s2;
	_ =	strace s9  }
0x27: {  	s1 =	sld [smem:$0x3FAE]  }
0x28: {  	s2 =	sld [smem:$0x3FAF]  }
0x29: {  	s4 =	sld [smem:$0x3FB1]  }
0x2a: {  	p0 =	seq.s32 s5, $0x0;
	s5 =	sld [smem:$0x3FB2]  }
0x2b: {  	s6 =	sld [smem:$0x3FB3]  }
0x2c: {  	s7 =	sld [smem:$0x3FB4]  }
0x2d: {  	s3 =	simm.s32 $0x108;
	s8 =	sld [smem:$0x3FB5]  }
0x2e: {  	s3 =	simm.s32 @!p0 $0x1082;
	s9 =	sld [smem:$0x3FB6]  }
0x2f: {  	lr =	sadd.s32 s0, s3;
	s0 =	sld [smem:$0x3FAD]  }
0x30: {  	s3 =	sld [smem:$0x3FB0]  }
0x31: {  	[smem:$0x3FB9] =	sst s10  }
0x32: {  	s10 =	sld [smem:$0x3FB7];
	_ =	sdelay $0x3  }
0x33: {  	p0 =	seq.s32 s10, $0x1;
	s10 =	sld [smem:$0x3FB9];
	_ =	sdelay $0x3  }
0x34: {  	[smem:$0x3FB9] =	sst s10  }
0x35: {  	s10 =	sld [smem:$0x3FB8];
	_ =	sdelay $0x3  }
0x36: {  	p1 =	seq.s32 s10, $0x1;
	s10 =	sld [smem:$0x3FB9];
	_ =	sdelay $0x3  }
0x37: {  	[smem:$0x3FB9] =	sst s10  }
0x38: {  	s10 =	sld [smem:$0x3FBA]  }
0x39: {  	_ = 	snop;
	(pc) =	sbr.ind lr, $3  }
0x3a: {  	_ = 	snop  }
0x3b: {  	_ = 	snop  }
0x3c: {  	p2 =	seq.s32 s10, $0x1;
	s10 =	sld [smem:$0x3FB9]  }
0x3d: {  	_ =	shalt  }
0x3e: {  	_ =	shalt  }
0x3f: {  	_ =	shalt  }
0x40: {  	_ =	shalt  }
0x41: {  	_ =	shalt  }
0x42: {  	_ =	shalt  }
0x43: {  	_ =	shalt  }
0x44: {  	_ =	shalt  }
0x45: {  	_ =	shalt  }
0x46: {  	_ =	shalt  }
0x47: {  	_ =	shalt  }
0x48: {  	_ =	shalt  }
0x49: {  	_ =	shalt  }
0x4a: {  	_ =	shalt  }
0x4b: {  	_ =	shalt  }
0x4c: {  	_ =	shalt  }
0x4d: {  	_ =	shalt  }
0x4e: {  	_ =	shalt  }
0x4f: {  	_ =	shalt  }
0x50: {  	_ =	shalt  }
0x51: {  	_ =	shalt  }
0x52: {  	_ =	shalt  }
0x53: {  	_ =	shalt  }
0x54: {  	_ =	shalt  }
0x55: {  	_ =	shalt  }
0x56: {  	_ =	shalt  }
0x57: {  	_ =	shalt  }
0x58: {  	_ =	shalt  }
0x59: {  	_ =	shalt  }
0x5a: {  	_ =	shalt  }
0x5b: {  	_ =	shalt  }
0x5c: {  	_ =	shalt  }
0x5d: {  	_ =	shalt  }
0x5e: {  	_ =	shalt  }
0x5f: {  	_ =	shalt  }
0x60: {  	_ =	shalt  }
0x61: {  	_ =	shalt  }
0x62: {  	_ =	shalt  }
0x63: {  	_ =	shalt  }
0x64: {  	_ =	shalt  }
0x65: {  	_ =	shalt  }
0x66: {  	_ =	shalt  }
0x67: {  	_ =	shalt  }
0x68: {  	_ =	shalt  }
0x69: {  	_ =	shalt  }
0x6a: {  	_ =	shalt  }
0x6b: {  	_ =	shalt  }
0x6c: {  	_ =	shalt  }
0x6d: {  	_ =	shalt  }
0x6e: {  	_ =	shalt  }
0x6f: {  	_ =	shalt  }
0x70: {  	_ =	shalt  }
0x71: {  	_ =	shalt  }
0x72: {  	_ =	shalt  }
0x73: {  	_ =	shalt  }
0x74: {  	_ =	shalt  }
0x75: {  	_ =	shalt  }
0x76: {  	_ =	shalt  }
0x77: {  	_ =	shalt  }
0x78: {  	_ =	shalt  }
0x79: {  	_ =	shalt  }
0x7a: {  	_ =	shalt  }
0x7b: {  	_ =	shalt  }
0x7c: {  	_ =	shalt  }
0x7d: {  	_ =	shalt  }
0x7e: {  	_ =	shalt  }
0x7f: {  	_ =	shalt  }
0x80: {  	_ =	shalt  }
0x81: {  	_ =	shalt  }
0x82: {  	_ =	shalt  }
0x83: {  	_ =	shalt  }
0x84: {  	_ =	shalt  }
0x85: {  	_ =	shalt  }
0x86: {  	_ =	shalt  }
0x87: {  	_ =	shalt  }
.Lfunc_end0:
.L_simem_size_0:
called_computation_lowered:
.L_overlay_start_0:
0x88: {  	s2 =	sld [smem:$0x3FD9]  }
0x89: {  	s3 =	sld [smem:$0x3FFE];
	_ =	sdelay $0x1  }
0x8a: {  	s1 =	srdreg.scid  }
0x8b: {  	s0 =	sand.u32 $0x1, s1  }
0x8c: {  	s17 =	sshll.u32 s0, $0xA;
	s2 =	sadd.s32 s3, s2  }
0x8d: {  	s2 =	sadd.s32 s2, s17  }
0x8e: {  	[smem:$0x3FC5] =	sst s2  }
0x8f: {  	_ = 	snop  }
0x90: {  	s2 =	sld [smem:$0x3FC9]  }
0x91: {  	s18 =	sld [smem:$0x3FC7];
	(tm) =	ssettm $0x1  }
0x92: {  	s4 =	sld [smem:$0x3FFB];
	_ =	sdelay $0x3  }
0x93: {  	_ =	strace s4  }
0x94: {  	s4 =	sld [smem:$0x3FFC];
	_ =	sdelay $0x3  }
0x95: {  	_ =	strace s4  }
0x96: {  	s4 =	sld [smem:$0x3FFD];
	_ =	sdelay $0x3  }
0x97: {  	_ =	strace s4  }
0x98: {  	_ =	strace $0x8FFFFFFF  }
0x99: {  	s19 =	sld [smem:$0x3FDB];
	_ =	sdelay $0x1  }
0x9a: {  	s5 =	simm.s32 $_scs_section_size  }
0x9b: {  	s6 =	simm.s32 $_size__tile_overlayer_lowered;
	s7 =	simm.s32 $_tile_overlayer_lowered  }
0x9c: {  	s22 =	simm.s32 $0x1BFF;
	s21 =	sshll.u32 s7, $0x1;
	s4 =	sadd.s32 s5, s19  }
0x9d: {  	s8 =	simm.s32 $0x0;
	s20 =	sshll.u32 s6, $0x1;
	s6 =	sadd.s32 s21, s4  }
0x9e: {  	[timem:s8], [sflag:s22] =	dma.local [hbm:s6], s20  }
0x9f: {  	_ =	swait.ge [sflag:s22], s20  }
0xa0: {  	s5 =	ssub.s32 $0x0, s20;
	[sflag:s22] =	ssyncset.done $0x0  }
0xa1: {  	[sflag:s22] =	ssyncadd.s32 s5;
	_ =	sdelay $0x1  }
0xa2: {  	s23 =	simm.s32 $0x1B8B  }
0xa3: {  	_ =	swait.ge [sflag:s23], $0x1  }
0xa4: {  	[sflag:s23] =	ssyncset.done $0x0  }
0xa5: {  	s25 =	simm.s32 $0x1B8E;
	s24 =	sld [smem:$0x3FFE];
	[sflag:s23] =	ssyncadd.s32 $0xFFFFFFFF  }
0xa6: {  	s26 =	simm.s32 $execute0_lowered;
	[smem:$0x3FD2] =	sst s25  }
0xa7: {  	s6 =	sshll.u32 s26, $0x1;
	_ =	strace $0x80000046;
	[dreg:$0x1] =	wrdreg $0xFFFFFFFF  }
0xa8: {  	s28 =	simm.s32 $_size_execute0_lowered;
	s4 =	sadd.s32 s4, s6;
	[dreg:$0x0] =	wrdreg $0x0  }
0xa9: {  	s6 =	sshll.u32 s28, $0x1;
	[dreg:$0x2] =	wrdreg s4  }
0xaa: {  	[dreg:$0x3] =	wrdreg s6  }
0xab: {  	[dreg:$0x4] =	wrdreg $0xC0  }
0xac: {  	_ =	task [dreg:s8], $0x5FFFF  }
0xad: {  	[dreg:$0x1] =	wrdreg $0xFFFFFFFF  }
0xae: {  	[dreg:$0x0] =	wrdreg $0x60  }
0xaf: {  	[dreg:$0x2] =	wrdreg s2  }
0xb0: {  	[dreg:$0x3] =	wrdreg s24  }
0xb1: {  	[dreg:$0x4] =	wrdreg s18  }
0xb2: {  	[dreg:$0x5] =	wrdreg $0x9  }
0xb3: {  	_ =	task.clear_ibuf [dreg:s8], $0x6FFFF;
	_ =	strace $0x90000046  }
0xb4: {  	s29 =	simm.s32 $0x9;
	_ =	strace $0x80000048  }
0xb5: {  	_ =	swait.ge [sflag:s29], $0x1  }
0xb6: {  	[sflag:s29] =	ssyncadd.s32 $0xFFFFFFFF  }
0xb7: {  	_ =	strace $0x90000048  }
0xb8: {  	_ =	sfence  }
0xb9: {  	s30 =	sld [smem:$0x0];
	_ =	sdelay $0x2  }
0xba: {  	s31 =	sshll.u32 s1, $0xD;
	s1 =	sshrl.u32 s1, $0x2  }
0xbb: {  	s3 =	sand.u32 $0x4000, s31;
	s1 =	sadd.s32 s1, s30  }
0xbc: {  	s0 =	sor.u32 s3, s0;
	s1 =	sshll.u32 s1, $0x11  }
0xbd: {  	s0 =	sor.u32 s1, s0  }
0xbe: {  	s0 =	sadd.s32 $0x8F2B, s0  }
0xbf: {  	[sflag:s0] =	ssyncadd.remote.s32 $0x1  }
0xc0: {  	_ =	sfence.sel $0xFFFF  }
0xc1: {  	[dreg:$0x0] =	wrdreg $0xFFFFFFFF;
	(pc) =	sbr.abs _section_cstart, $3  }
0xc2: {  	[dreg:$0x1] =	wrdreg $0xFFFFFFFF  }
0xc3: {  	_ =	task.clear_ibuf [dreg:s8], $0x2FFFF;
	_ =	strace $0x9FFFFFFF  }
0xc4: {  	(tm) =	ssettm $0x7FFFFFFF  }
0xc5: {  	_ =	shalt  }
tec
execute0_lowered:
.L_overlay_start_1:
0x0: {  	(tag) =	ssettag $0x1  }
0x1: {  	v0 =	vimm.s32 $0xFFEDCBA9;
	v1 =	vimm.s32 $0x87654321;
	v2 =	vimm.s32 $0x76543210  }
0x2: {  	v3 =	vimm.s32 $0xFEDCBA98;
	v4 =	vimm.s32 $0xBA98FEDC;
	v5 =	vimm.s32 $0x32107654  }
0x3: {  	v6 =	vimm.s32 $0xDCFE98BA;
	vm0 =	vcmask $0xB08;
	vm1 =	vcmask $0x300  }
0x4: {  	v0 =	vunpack.c.l.s4.s8 v0;
	v1 =	vunpack.c.l.s4.s8 v1;
	v2 =	vunpack.c.l.s4.s8 v2  }
0x5: {  	v3 =	vunpack.c.l.s4.s8 v3;
	vm0 =	vmor vm1, vm0;
	vm1 =	vcmask $0x1310  }
0x6: {  	v4 =	vunpack.c.l.s4.s8 v4;
	v5 =	vunpack.c.l.s4.s8 v5;
	vm0 =	vmor vm0, vm1  }
0x7: {  	vm1 =	vcmask $0x1B18;
	v0 =	vunpack.c.0.s8.s32 v0;
	v1 =	vunpack.c.0.s8.s32 v1  }
0x8: {  	v2 =	vunpack.c.0.s8.s32 v2;
	v3 =	vunpack.c.0.s8.s32 v3;
	v4 =	vunpack.c.0.s8.s32 v4  }
0x9: {  	s7 =	rddreg [dreg:$0x0];
	v5 =	vunpack.c.0.s8.s32 v5;
	vm0 =	vmor vm0, vm1;
	vm1 =	vcmask $0x2320  }
0xa: {  	s4 =	rddreg [dreg:$0x1];
	vm0 =	vmor vm0, vm1;
	vm1 =	vcmask $0x2B28;
	v0 =	vcombine.low v1, v0  }
0xb: {  	s1 =	rddreg [dreg:$0x2];
	v1 =	vand.u32 $0xF, v3;
	v3 =	vunpack.c.l.s4.s8 v6;
	v6 =	vimm.s32 $0x67452301  }
0xc: {  	s0 =	rddreg [dreg:$0x3];
	s2 =	simm.s32 $0x0;
	v1 =	vcombine.low v1, v2;
	v2 =	vcombine.low v5, v4;
	v4 =	vimm.s32 $0xEFCDAB89  }
0xd: {  	s5 =	srdreg.scid;
	s11 =	simm.s32 $0x4100;
	s12 =	simm.s32 $0x2000;
	vm0 =	vmor vm0, vm1;
	v6 =	vunpack.c.l.s4.s8 v6;
	v4 =	vunpack.c.l.s4.s8 v4  }
0xe: {  	s13 =	simm.s32 $0x0;
	s15 =	simm.s32 $0x0;
	[smem:$0x7FF] =	sst s2;
	vm1 =	vcmask $0x3330;
	v5 =	vunpack.c.0.s8.s32 v3;
	v3 =	vimm.s32 $0x54761032  }
0xf: {  	s3 =	sadd.s32 $0x800, s4;
	s6 =	sand.u32 $0x1, s5;
	s5 =	sadd.s32 $0xA00, s4;
	v3 =	vunpack.c.l.s4.s8 v3;
	v6 =	vunpack.c.0.s8.s32 v6;
	v4 =	vunpack.c.0.s8.s32 v4  }
0x10: {  	s4 =	stileid.u32;
	s7 =	sadd.s32 $0x38000, s7;
	s8 =	ssub.s32 $0x2, s6;
	vm0 =	vmor vm0, vm1  }
0x11: {  	s10 =	sshll.u32 s4, $0xC;
	s6 =	sshll.u32 s6, $0xB;
	s9 =	sshrl.u32 s8, $0x1;
	vm1 =	vcmask $0x3B38;
	v7 =	vunpack.c.0.s8.s32 v3;
	v3 =	vcombine.low v6, v4  }
0x12: {  	_ =	strace $0x80000047;
	s6 =	sor.u32 s6, s10;
	s8 =	ssub.s32 s8, s9;
	vm0 =	vmor vm0, vm1;
	v4 =	vimm.s32 $0x7  }
0x13: {  	s10 =	simm.s32 $0x1;
	s9 =	simm.s32 $0x4000;
	s8 =	smax.u32 s8, $0x1;
	v5 =	vcombine.low v7, v5;
	v7 =	vimm.s32 $0x0;
	v6 =	vand.u32 $0xF, v3  }
.LBB2_1:
0x14: {  	[tilespmem:s9], [sflag:$0x1] =	stream.linear.gather [hbm4b:s3+s2], $0x100, $0x38;
	[tilespmem:$0x4180] =	vst v63  }
0x15: {  	_ =	swait.ge [sflag:s10], $0x100  }
0x16: {  	[sflag:s10] =	ssyncset.done $0x0  }
0x17: {  	[sflag:s10] =	ssyncadd.s32 $0xFFFFFF00  }
0x18: {  	[tilespmem:s11], [sflag:$0x1] =	stream.linear.gather [hbm4b:s1+s2], $0x80, $0x38;
	[tilespmem:$0x4180] =	vst v63  }
0x19: {  	_ =	swait.ge [sflag:s10], $0x80  }
0x1a: {  	[sflag:s10] =	ssyncset.done $0x0  }
0x1b: {  	[sflag:s10] =	ssyncadd.s32 $0xFFFFFF80  }
0x1c: {  	v8 =	vld [tilespmem:$0x4100];
	_ =	sdelay $0x4  }
0x1d: {  	v9 =	vperm.xlane v8, v0;
	_ =	sdelay $0x1  }
0x1e: {  	v9 =	vadd.f32 v9, v8;
	_ =	sdelay $0x1  }
0x1f: {  	v9 =	vmul.f32 $5.000000000e-01, v9;
	_ =	sdelay $0x1  }
0x20: {  	p1 =	por $0x1, $0x1;
	s14 =	simm.s32 $0x0;
	v10 =	vperm.xlane v9, v4  }
.LBB2_2:
0x21: {  	s14 =	sor.u32 s6, s14  }
0x22: {  	s16 =	sadd.s32 s14, s7  }
0x23: {  	[tilespmem:s15], [sflag:$0x1] =	stream.linear.gather [hbm4b:s16+s15], $0x2000, $0x38;
	[tilespmem:$0x4180] =	vst v63  }
0x24: {  	_ =	swait.ge [sflag:s10], $0x2000  }
0x25: {  	[sflag:s10] =	ssyncset.done $0x0  }
0x26: {  	p0 =	por p1, p1;
	s16 =	simm.s32 $0x0;
	[sflag:s10] =	ssyncadd.s32 $0xFFFFE000  }
.LBB2_3:
0x27: {  	s17 =	sshll.u32 s16, $0x8;
	s18 =	sshll.u32 s16, $0x7  }
0x28: {  	s17 =	sand.u32 $0x1800, s17;
	s18 =	sand.u32 $0x380, s18  }
0x29: {  	s17 =	sor.u32 s18, s17  }
0x2a: {  	v11 =	vld [tilespmem:s17+$0x0]  }
0x2b: {  	v12 =	vld [tilespmem:s17+$0x10]  }
0x2c: {  	v13 =	vld [tilespmem:s17+$0x20]  }
0x2d: {  	v14 =	vld [tilespmem:s17+$0x30]  }
0x2e: {  	v15 =	vld [tilespmem:s17+$0x40]  }
0x2f: {  	v16 =	vld [tilespmem:s17+$0x50]  }
0x30: {  	v17 =	vld [tilespmem:s17+$0x60]  }
0x31: {  	v18 =	vld [tilespmem:s17+$0x70]  }
0x32: {  	v19 =	vld [tilespmem:s17+$0x400]  }
0x33: {  	v20 =	vld [tilespmem:s17+$0x410]  }
0x34: {  	v21 =	vld [tilespmem:s17+$0x420]  }
0x35: {  	v22 =	vld [tilespmem:s17+$0x430]  }
0x36: {  	v23 =	vld [tilespmem:s17+$0x440];
	v11 =	vmul.f32 v11, v11;
	v12 =	vmul.f32 v12, v12  }
0x37: {  	v24 =	vld [tilespmem:s17+$0x450];
	v13 =	vmul.f32 v13, v13;
	v15 =	vmul.f32 v15, v15  }
0x38: {  	v25 =	vld [tilespmem:s17+$0x460];
	v14 =	vmul.f32 v14, v14;
	v16 =	vmul.f32 v16, v16  }
0x39: {  	v11 =	vadd.f32 v15, v11;
	v15 =	vmul.f32 v17, v17;
	v17 =	vmul.f32 v18, v18;
	v18 =	vld [tilespmem:s17+$0x470]  }
0x3a: {  	v12 =	vadd.f32 v16, v12;
	v16 =	vmul.f32 v19, v19;
	v19 =	vmul.f32 v20, v20  }
0x3b: {  	v13 =	vadd.f32 v15, v13;
	v14 =	vadd.f32 v17, v14;
	v15 =	vmul.f32 v21, v21  }
0x3c: {  	v11 =	vadd.f32 v16, v11;
	v12 =	vadd.f32 v19, v12;
	v16 =	vmul.f32 v22, v22  }
0x3d: {  	v17 =	vmul.f32 v24, v24;
	v13 =	vadd.f32 v15, v13;
	v15 =	vmul.f32 v23, v23  }
0x3e: {  	v14 =	vadd.f32 v16, v14;
	v16 =	vmul.f32 v25, v25;
	v18 =	vmul.f32 v18, v18  }
0x3f: {  	v12 =	vadd.f32 v17, v12;
	v11 =	vadd.f32 v15, v11  }
0x40: {  	v13 =	vadd.f32 v16, v13;
	v14 =	vadd.f32 v18, v14;
	_ =	sdelay $0x1  }
0x41: {  	v11 =	vadd.f32 v12, v11;
	v12 =	vadd.f32 v14, v13;
	_ =	sdelay $0x1  }
0x42: {  	v11 =	vadd.f32 v12, v11;
	_ =	sdelay $0x1  }
0x43: {  	v12 =	vperm.xlane v11, v1;
	_ =	sdelay $0x1  }
0x44: {  	v11 =	vadd.f32 v12, v11;
	_ =	sdelay $0x1  }
0x45: {  	v12 =	vperm.xlane v11, v2;
	_ =	sdelay $0x1  }
0x46: {  	v11 =	vadd.f32 v12, v11;
	_ =	sdelay $0x1  }
0x47: {  	v12 =	vperm.xlane v11, v5;
	_ =	sdelay $0x1  }
0x48: {  	v11 =	vadd.f32 v12, v11;
	_ =	sdelay $0x1  }
0x49: {  	v12 =	vperm.xlane v11, v3;
	_ =	sdelay $0x1  }
0x4a: {  	v11 =	vadd.f32 v12, v11;
	_ =	sdelay $0x1  }
0x4b: {  	v11 =	vmax.f32 v11, $1.000000000e-30  }
0x4c: {  	v12 =	vshra.s32 v11, $0x1;
	v13 =	vmul.f32 $5.000000000e-01, v11  }
0x4d: {  	v12 =	vsub.s32 $0x5F3759DF, v12  }
0x4e: {  	v14 =	vmul.f32 v12, v13;
	_ =	sdelay $0x1  }
0x4f: {  	v14 =	vmul.f32 v12, v14;
	_ =	sdelay $0x1  }
0x50: {  	v14 =	vsub.f32 $1.500000000e+00, v14;
	_ =	sdelay $0x1  }
0x51: {  	v12 =	vmul.f32 v12, v14;
	_ =	sdelay $0x1  }
0x52: {  	v14 =	vmul.f32 v12, v13;
	_ =	sdelay $0x1  }
0x53: {  	v14 =	vmul.f32 v14, v12;
	_ =	sdelay $0x1  }
0x54: {  	v14 =	vsub.f32 $1.500000000e+00, v14;
	_ =	sdelay $0x1  }
0x55: {  	v12 =	vmul.f32 v14, v12;
	_ =	sdelay $0x1  }
0x56: {  	s21 =	sand.u32 $0x40, s15;
	s19 =	sand.u32 $0x80, s15;
	v13 =	vmul.f32 v12, v13  }
0x57: {  	s22 =	sor.u32 $0x10, s21;
	s23 =	sor.u32 $0x4000, s19  }
0x58: {  	s25 =	sor.u32 $0x30, s21;
	s29 =	sor.u32 s22, s23;
	v13 =	vmul.f32 v13, v12  }
0x59: {  	s31 =	sor.u32 s25, s23;
	v15 =	vld [tilespmem:s29+$0x0]  }
0x5a: {  	s20 =	sand.u32 $0x400, s15;
	s18 =	simm.s32 $0x4000;
	v16 =	vld [tilespmem:s31+$0x0];
	v13 =	vsub.f32 $1.500000000e+00, v13  }
0x5b: {  	s24 =	sor.u32 s20, s17;
	v14 =	vld [tilespmem:s18+$0x0]  }
0x5c: {  	s30 =	sor.u32 $0x20, s21;
	s21 =	sor.u32 s21, s24;
	v12 =	vmul.f32 v13, v12  }
0x5d: {  	s23 =	sor.u32 s30, s23;
	v18 =	vld [tilespmem:s21+$0x0]  }
0x5e: {  	s19 =	sor.u32 s22, s24;
	v17 =	vld [tilespmem:s23+$0x0];
	v11 =	vmul.f32 v12, v11  }
0x5f: {  	v19 =	vperm.xlane v15, v6;
	v13 =	vld [tilespmem:s19+$0x0]  }
0x60: {  	s22 =	sor.u32 s30, s24;
	v21 =	vperm.xlane v16, v6;
	v20 =	vperm.xlane v14, v6;
	v11 =	vmax.f32 v11, $9.999999930e-09  }
0x61: {  	s20 =	sor.u32 s25, s24;
	v26 =	vld [tilespmem:s22+$0x0];
	v22 =	vsel vm0, v15, v19;
	v19 =	vsub.f32 $0.0e+00, v19;
	(erf) = vrcp.f32 v11  }
0x62: {  	v29 =	vperm.xlane v18, v6;
	v23 =	vsel vm0, v14, v20;
	v20 =	vsub.f32 $0.0e+00, v20;
	v12 =	vld [tilespmem:s20+$0x0]  }
0x63: {  	v28 =	vsub.f32 $0.0e+00, v21;
	v27 =	vsel vm0, v19, v15;
	v19 =	vperm.xlane v17, v6  }
0x64: {  	v18 =	vmul.f32 v23, v18;
	v20 =	vsel vm0, v20, v14;
	v42 =	vmul.f32 v22, v13  }
0x65: {  	v43 =	vperm.xlane v13, v6;
	v13 =	vsel vm0, v16, v21;
	v21 =	vsel vm0, v17, v19  }
0x66: {  	v29 =	vmul.f32 v29, v20;
	v19 =	vsub.f32 $0.0e+00, v19;
	v44 =	vmul.f32 v21, v26  }
0x67: {  	v14 =	vsel vm0, v28, v16;
	v26 =	vperm.xlane v26, v6;
	v15 =	vperm.xlane v12, v6  }
0x68: {  	v25 =	vmul.f32 v43, v27;
	v16 =	vmul.f32 v13, v12;
	v45 =	vsel vm0, v19, v17  }
0x69: {  	v18 =	vadd.f32 v29, v18;
	v19 =	vmul.f32 v26, v45;
	v15 =	vmul.f32 v15, v14  }
0x6a: {  	v17 =	vadd.f32 v25, v42;
	v12 =	vpop (erf)  }
0x6b: {  	v15 =	vadd.f32 v15, v16;
	v16 =	vadd.f32 v19, v44;
	v18 =	vmul.f32 v18, v12  }
0x6c: {  	v17 =	vmul.f32 v17, v12  }
0x6d: {  	v16 =	vmul.f32 v16, v12;
	vm1 =	vgt.f32 v18, v10  }
0x6e: {  	v15 =	vmul.f32 v15, v12;
	v19 =	vsel vm1, $0x8, v7;
	vm1 =	vgt.f32 v17, v10  }
0x6f: {  	vm2 =	vgt.f32 v16, v10;
	v46 =	vsel vm1, $0x8, v7;
	v47 =	vor.u32 $0x3, v19  }
0x70: {  	vm1 =	vgt.f32 v15, v10;
	v25 =	vperm.xlane v9, v47;
	v48 =	vor.u32 $0x3, v46  }
0x71: {  	v30 =	vsel vm2, $0x8, v7;
	v49 =	vsel vm1, $0x8, v7;
	v26 =	vperm.xlane v9, v48  }
0x72: {  	v50 =	vor.u32 $0x3, v30;
	v31 =	vor.u32 $0x3, v49;
	vm1 =	vgt.f32 v18, v25  }
0x73: {  	v25 =	vperm.xlane v9, v50;
	v32 =	vsel vm1, $0x4, v7;
	vm1 =	vgt.f32 v17, v26  }
0x74: {  	v31 =	vperm.xlane v9, v31;
	v26 =	vsel vm1, $0x4, v7  }
0x75: {  	v19 =	vor.u32 v19, v32;
	vm1 =	vgt.f32 v16, v25;
	v24 =	vor.u32 v46, v26  }
0x76: {  	v51 =	vor.u32 $0x1, v19;
	v54 =	vsel vm1, $0x4, v7;
	vm1 =	vgt.f32 v15, v31  }
0x77: {  	v52 =	vperm.xlane v9, v51;
	v53 =	vor.u32 $0x1, v24;
	v30 =	vor.u32 v30, v54  }
0x78: {  	v31 =	vsel vm1, $0x4, v7;
	v26 =	vperm.xlane v9, v53;
	v55 =	vor.u32 $0x1, v30  }
0x79: {  	v28 =	vor.u32 v49, v31;
	vm1 =	vgt.f32 v18, v52;
	v25 =	vperm.xlane v9, v55  }
0x7a: {  	v31 =	vor.u32 $0x1, v28;
	v56 =	vsel vm1, $0x2, v7;
	vm1 =	vgt.f32 v17, v26  }
0x7b: {  	v31 =	vperm.xlane v9, v31;
	v19 =	vor.u32 v19, v56;
	v26 =	vsel vm1, $0x2, v7  }
0x7c: {  	vm1 =	vgt.f32 v16, v25;
	v24 =	vor.u32 v24, v26;
	v57 =	vperm.xlane v9, v19  }
0x7d: {  	v59 =	vsel vm1, $0x2, v7;
	vm2 =	vgt.f32 v15, v31;
	v58 =	vperm.xlane v9, v24  }
0x7e: {  	v60 =	vsel vm2, $0x2, v7;
	vm1 =	vgt.f32 v18, v57;
	v18 =	vor.u32 v30, v59  }
0x7f: {  	v26 =	vsel vm1, $0x1, v7;
	vm1 =	vgt.f32 v17, v58;
	v17 =	vperm.xlane v9, v18  }
0x80: {  	v61 =	vor.u32 v28, v60;
	v19 =	vor.u32 v26, v19  }
0x81: {  	v25 =	vsel vm1, $0x1, v7;
	vm1 =	vgt.f32 v16, v17;
	v16 =	vperm.xlane v8, v19  }
0x82: {  	v17 =	vor.u32 v25, v24;
	v19 =	vperm.xlane v9, v61;
	v62 =	vsel vm1, $0x1, v7  }
0x83: {  	v17 =	vperm.xlane v8, v17;
	v18 =	vor.u32 v62, v18;
	v63 =	vperm.xlane v16, v6  }
0x84: {  	v16 =	vmul.f32 v16, v23;
	vm1 =	vgt.f32 v15, v19;
	v18 =	vperm.xlane v8, v18  }
0x85: {  	v23 =	vperm.xlane v17, v6;
	v19 =	vsel vm1, $0x1, v7;
	v15 =	vmul.f32 v17, v22  }
0x86: {  	v20 =	vmul.f32 v63, v20;
	v19 =	vor.u32 v19, v61;
	v22 =	vperm.xlane v18, v6  }
0x87: {  	v17 =	vmul.f32 v18, v21;
	v18 =	vperm.xlane v8, v19  }
0x88: {  	s24 =	simm.s32 $0x0;
	s23 =	simm.s32 $0x40;
	v19 =	vadd.f32 v20, v16;
	v20 =	vmul.f32 v23, v27;
	v16 =	vmul.f32 v22, v45  }
.LBB2_4:
0x89: {  	p1 =	sne.s32 s23, $0xC0;
	s24 =	sadd.s32 $0x200, s24;
	s18 =	sadd.s32 $0x40, s18  }
0x8a: {  	v15 =	vadd.f32 v20, v15;
	s25 =	smov.u32 s23;
	s23 =	sadd.s32 $0x40, s23;
	v16 =	vadd.f32 v16, v17;
	v17 =	vperm.xlane v18, v6  }
0x8b: {  	v19 =	vmul.f32 v19, v11;
	v13 =	vmul.f32 v18, v13  }
0x8c: {  	v15 =	vmul.f32 v15, v11;
	v14 =	vmul.f32 v17, v14  }
0x8d: {  	v16 =	vmul.f32 v16, v11;
	[tilespmem:s21+$0x2000] =	vst v19  }
0x8e: {  	v13 =	vadd.f32 v14, v13;
	[tilespmem:s19+$0x2000] =	vst v15  }
0x8f: {  	[tilespmem:s22+$0x2000] =	vst v16  }
0x90: {  	s21 =	sand.u32 $0x400, s24;
	s19 =	sand.u32 $0x40, s25;
	s22 =	sand.u32 $0x80, s25;
	v13 =	vmul.f32 v13, v11  }
0x91: {  	s25 =	sor.u32 $0x10, s19;
	s26 =	sor.u32 $0x30, s19;
	s28 =	sor.u32 $0x4000, s22  }
0x92: {  	s29 =	sor.u32 s21, s17;
	s30 =	sor.u32 $0x20, s19;
	s31 =	sor.u32 s25, s28;
	[tilespmem:s20+$0x2000] =	vst v13  }
0x93: {  	s21 =	sor.u32 s19, s29;
	s19 =	sor.u32 s25, s29;
	s20 =	sor.u32 s26, s28;
	v14 =	vld [tilespmem:s18+$0x0]  }
0x94: {  	s22 =	sor.u32 s30, s29;
	s25 =	sor.u32 s30, s28;
	v13 =	vld [tilespmem:s31+$0x0]  }
0x95: {  	v16 =	vld [tilespmem:s19+$0x0]  }
0x96: {  	v18 =	vld [tilespmem:s20+$0x0]  }
0x97: {  	s20 =	sor.u32 s26, s29;
	v19 =	vld [tilespmem:s25+$0x0]  }
0x98: {  	v20 =	vld [tilespmem:s20+$0x0];
	v21 =	vperm.xlane v14, v6  }
0x99: {  	v22 =	vld [tilespmem:s21+$0x0];
	v23 =	vperm.xlane v13, v6  }
0x9a: {  	v17 =	vsel vm0, v14, v21  }
0x9b: {  	v24 =	vperm.xlane v18, v6;
	v15 =	vsel vm0, v13, v23;
	v23 =	vsub.f32 $0.0e+00, v23  }
0x9c: {  	v26 =	vperm.xlane v16, v6;
	v25 =	vmul.f32 v15, v16  }
0x9d: {  	v21 =	vsub.f32 $0.0e+00, v21;
	v27 =	vld [tilespmem:s22+$0x0];
	v16 =	vsel vm0, v23, v13;
	v23 =	vperm.xlane v20, v6  }
0x9e: {  	v28 =	vperm.xlane v19, v6;
	v29 =	vsub.f32 $0.0e+00, v24;
	v30 =	vperm.xlane v22, v6  }
0x9f: {  	v21 =	vsel vm0, v21, v14;
	v13 =	vsel vm0, v18, v24;
	v22 =	vmul.f32 v17, v22  }
0xa0: {  	v24 =	vsel vm0, v19, v28;
	v26 =	vmul.f32 v26, v16;
	v30 =	vmul.f32 v30, v21  }
0xa1: {  	v28 =	vsub.f32 $0.0e+00, v28;
	v14 =	vsel vm0, v29, v18;
	v18 =	vmul.f32 v13, v20  }
0xa2: {  	v20 =	vadd.f32 v30, v22;
	v22 =	vmul.f32 v24, v27;
	v27 =	vperm.xlane v27, v6  }
0xa3: {  	v28 =	vsel vm0, v28, v19;
	v19 =	vadd.f32 v26, v25;
	v23 =	vmul.f32 v23, v14  }
0xa4: {  	v20 =	vmul.f32 v20, v12;
	v25 =	vmul.f32 v27, v28  }
0xa5: {  	v19 =	vmul.f32 v19, v12;
	v18 =	vadd.f32 v23, v18  }
0xa6: {  	v22 =	vadd.f32 v25, v22;
	vm1 =	vgt.f32 v20, v10  }
0xa7: {  	v18 =	vmul.f32 v18, v12;
	v23 =	vsel vm1, $0x8, v7;
	vm1 =	vgt.f32 v19, v10  }
0xa8: {  	v22 =	vmul.f32 v22, v12;
	v25 =	vsel vm1, $0x8, v7;
	v26 =	vor.u32 $0x3, v23  }
0xa9: {  	vm1 =	vgt.f32 v18, v10;
	v26 =	vperm.xlane v9, v26;
	v27 =	vor.u32 $0x3, v25  }
0xaa: {  	v29 =	vsel vm1, $0x8, v7;
	vm2 =	vgt.f32 v22, v10;
	v27 =	vperm.xlane v9, v27  }
0xab: {  	v31 =	vor.u32 $0x3, v29;
	v30 =	vsel vm2, $0x8, v7;
	vm1 =	vgt.f32 v20, v26  }
0xac: {  	v26 =	vor.u32 $0x3, v30;
	v32 =	vsel vm1, $0x4, v7;
	vm1 =	vgt.f32 v19, v27  }
0xad: {  	v26 =	vperm.xlane v9, v26;
	v23 =	vor.u32 v23, v32;
	v27 =	vsel vm1, $0x4, v7  }
0xae: {  	v31 =	vperm.xlane v9, v31;
	v25 =	vor.u32 v25, v27;
	v27 =	vor.u32 $0x1, v23  }
0xaf: {  	vm1 =	vgt.f32 v22, v26;
	v26 =	vperm.xlane v9, v27;
	v27 =	vor.u32 $0x1, v25  }
0xb0: {  	v32 =	vsel vm1, $0x4, v7;
	vm1 =	vgt.f32 v18, v31;
	v27 =	vperm.xlane v9, v27  }
0xb1: {  	v30 =	vor.u32 v30, v32;
	v31 =	vsel vm1, $0x4, v7;
	vm1 =	vgt.f32 v20, v26  }
0xb2: {  	v26 =	vor.u32 $0x1, v30;
	v32 =	vsel vm1, $0x2, v7;
	vm1 =	vgt.f32 v19, v27  }
0xb3: {  	v26 =	vperm.xlane v9, v26;
	v23 =	vor.u32 v23, v32;
	v27 =	vsel vm1, $0x2, v7  }
0xb4: {  	v29 =	vor.u32 v29, v31;
	v25 =	vor.u32 v25, v27;
	v27 =	vperm.xlane v9, v23  }
0xb5: {  	v31 =	vor.u32 $0x1, v29;
	vm1 =	vgt.f32 v22, v26;
	v26 =	vperm.xlane v9, v25  }
0xb6: {  	v31 =	vperm.xlane v9, v31;
	v32 =	vsel vm1, $0x2, v7;
	vm1 =	vgt.f32 v20, v27  }
0xb7: {  	v20 =	vor.u32 v30, v32;
	v27 =	vsel vm1, $0x1, v7;
	vm1 =	vgt.f32 v19, v26  }
0xb8: {  	vm2 =	vgt.f32 v18, v31;
	v19 =	vperm.xlane v9, v20;
	v26 =	vsel vm1, $0x1, v7  }
0xb9: {  	v30 =	vsel vm2, $0x2, v7;
	v23 =	vor.u32 v27, v23;
	v25 =	vor.u32 v26, v25  }
0xba: {  	v26 =	vor.u32 v29, v30;
	vm1 =	vgt.f32 v22, v19;
	v19 =	vperm.xlane v8, v23  }
0xbb: {  	v22 =	vperm.xlane v9, v26;
	v25 =	vperm.xlane v8, v25;
	v23 =	vsel vm1, $0x1, v7  }
0xbc: {  	v20 =	vor.u32 v23, v20;
	v23 =	vmul.f32 v19, v17;
	v17 =	vperm.xlane v19, v6  }
.Ltmp0:
0xbd: {  	vm1 =	vgt.f32 v18, v22;
	v18 =	vperm.xlane v8, v20;
	v20 =	vperm.xlane v25, v6;
	(pc) =	sbr.rel @p1 .LBB2_4-.Ltmp0, $4  }
0xbe: {  	v15 =	vmul.f32 v25, v15;
	v19 =	vsel vm1, $0x1, v7;
	v21 =	vmul.f32 v17, v21  }
0xbf: {  	v19 =	vor.u32 v19, v26;
	v17 =	vmul.f32 v18, v24;
	v22 =	vperm.xlane v18, v6  }
0xc0: {  	v18 =	vperm.xlane v8, v19;
	v20 =	vmul.f32 v20, v16;
	v19 =	vadd.f32 v21, v23  }
0xc1: {  	v16 =	vmul.f32 v22, v28  }
0xc2: {  	v12 =	vperm.xlane v18, v6;
	_ =	sdelay $0x1  }
0xc3: {  	v15 =	vadd.f32 v20, v15;
	v13 =	vmul.f32 v18, v13;
	s16 =	sadd.s32 $0x1, s16;
	v12 =	vmul.f32 v12, v14  }
0xc4: {  	v62 =	vmul.f32 v19, v11;
	v61 =	vadd.f32 v16, v17;
	p1 =	sne.s32 s16, $0x20  }
.Ltmp1:
0xc5: {  	v15 =	vmul.f32 v15, v11;
	v12 =	vadd.f32 v12, v13;
	(pc) =	sbr.rel @p1 .LBB2_3-.Ltmp1, $4  }
0xc6: {  	[tilespmem:s21+$0x2000] =	vst v62;
	v63 =	vmul.f32 v61, v11  }
0xc7: {  	[tilespmem:s19+$0x2000] =	vst v15;
	v11 =	vmul.f32 v12, v11  }
0xc8: {  	[tilespmem:s22+$0x2000] =	vst v63  }
0xc9: {  	[tilespmem:s20+$0x2000] =	vst v11  }
.Ltmp2:
0xca: {  	s14 =	sadd.s32 s5, s14;
	(pc) =	sbr.rel @p0 .LBB2_2-.Ltmp2, $4  }
0xcb: {  	[hbm4b:s14+s2] =	stream.linear.scatter [tilespmem:s12], [sflag:$0x1], $0x2000, $0x38;
	[tilespmem:$0x4180] =	vst v63  }
0xcc: {  	_ =	swait.ge [sflag:s10], $0x2000  }
0xcd: {  	[sflag:s10] =	ssyncset.done $0x0  }
0xce: {  	p1 =	por $0x0, $0x0;
	s14 =	simm.s32 $0x400;
	[sflag:s10] =	ssyncadd.s32 $0xFFFFE000  }
0xcf: {  	s13 =	sadd.s32 $0x1, s13  }
0xd0: {  	p0 =	sne.s32 s13, s8  }
.Ltmp3:
0xd1: {  	_ = 	snop;
	(pc) =	sbr.rel @p0 .LBB2_1-.Ltmp3, $1  }
0xd2: {  	_ =	sdelay $0x3  }
0xd3: {  	_ =	sfence.sel $0x180000  }
0xd4: {  	[bflag:$0x0] =	sbarrier.arrive $0xFFFF  }
0xd5: {  	p0 =	sne.s32 s4, $0x0;
	_ =	strace $0x90000047  }
0xd6: {  	s0 =	sadd.s32 @!p0 $0x100000, s0;
	[bflag:$0x2] =	sbarrier.arrive $0xFFFF  }
0xd7: {  	[sflag:s0] =	ssyncadd.tile.s32 @!p0 $0x1;
	_ =	shalt  }
.Lfunc_end2:
_tile_overlayer_lowered:
.L_overlay_start_2:
0xd8: {  	(tag) =	ssettag $0x2  }
0xd9: {  	s0 =	rddreg [dreg:$0x0];
	s2 =	stileid.u32  }
0xda: {  	s1 =	rddreg [dreg:$0x1];
	p0 =	sne.s32 s2, $0x0  }
0xdb: {  	s3 =	rddreg [dreg:$0x2];
	[bflag:$0x3] =	sbarrier.arrive $0xFFFF;
	s2 =	simm.s32 @!p0 $0x1C01  }
0xdc: {  	[timem:s3], [sflag:s2] =	dma.local @!p0 [hbm:s0], s1  }
0xdd: {  	s0 =	simm.s32 @!p0 $0x1  }
0xde: {  	_ =	swait.ge @!p0 [sflag:s0], s1  }
0xdf: {  	s1 =	ssub.s32 @!p0 $0x0, s1;
	[sflag:s0] =	ssyncset.done @!p0 $0x0  }
0xe0: {  	[sflag:s0] =	ssyncadd.s32 @!p0 s1  }
0xe1: {  	[bflag:$0x3] =	sbarrier.arrive $0xFFFF  }
0xe2: {  	_ =	shalt  }

</sc_bundles>
